<compile_context>
chip_gen: v7x
topology: tpu7x:2x2x1
jax: 0.10.2.dev20260603
libtpu: 0.0.44.dev20260713+nightly
codegen_flags: <defaults>
</compile_context>

<pallas_src>
import functools

import jax
import jax.numpy as jnp
import numpy as np
from jax import lax
from jax.experimental import pallas as pl
from jax.experimental.pallas import tpu as pltpu
from jax.experimental.pallas import tpu_sc as plsc

_N = 10000
_E = 320000
_D = 128

_NCORES = 2
_NSUB = 16
_NTILES = _NCORES * _NSUB
_LANES = 128
_CH = -(-_E // (_NTILES * _LANES))
_CH = -(-_CH // 16) * 16
_CHH = _CH // 2
_EPAD = _NTILES * _CH * _LANES
_NP = 10240
_RPT = _NP // _NSUB
_mesh = plsc.VectorSubcoreMesh(core_axis_name="c", subcore_axis_name="s")

_BR = 1000
_GRID = _N // _BR
_HR = 128
_HPT = _HR // _NSUB


@functools.partial(
    pl.kernel,
    out_type=jax.ShapeDtypeStruct((_NCORES, _HR, _D), jnp.float32),
    mesh=_mesh,
    scratch_types=[
        pltpu.VMEM((_CH, _LANES), jnp.int32),
        pltpu.VMEM((_HR, _D), jnp.float32),
        pltpu.VMEM((1, _HR), jnp.int32),
        pltpu.VMEM_SHARED((_HR, _D), jnp.float32),
    ],
    compiler_params=pltpu.CompilerParams(needs_layout_passes=False),
)
def _deg_kernel(dsts, zeros, iota, out, dst_v, hist, idxh, acc):
    c = lax.axis_index("c")
    s = lax.axis_index("s")
    g = c * _NSUB + s
    pltpu.sync_copy(dsts.at[g], dst_v)
    pltpu.sync_copy(iota, idxh)
    pltpu.sync_copy(zeros.at[pl.ds(0, _HR)], hist)
    pltpu.sync_copy(zeros.at[pl.ds(s * _HPT, _HPT)], acc.at[pl.ds(s * _HPT, _HPT)])

    @pl.loop(0, _CH)
    def _(j):
        for k in range(8):
            idx = dst_v[j, pl.ds(k * 16, 16)]
            blk = (idx * 67109) >> 26
            fpos = blk * 1024 + (idx - blk * _BR)
            row = fpos >> 7
            col = fpos & 127
            cnt, last = plsc.scan_count(idx)
            plsc.addupdate_scatter(hist, [row, col],
                                   cnt.astype(jnp.float32), mask=last)

    plsc.subcore_barrier()
    pltpu.sync_copy(hist, acc.at[idxh.at[0]], add=True)
    plsc.subcore_barrier()
    pltpu.sync_copy(acc.at[pl.ds(s * _HPT, _HPT)], out.at[c, pl.ds(s * _HPT, _HPT)])


@functools.partial(
    pl.kernel,
    out_type=jax.ShapeDtypeStruct((_NCORES, _NP, _D), jnp.float32),
    mesh=_mesh,
    scratch_types=[
        pltpu.VMEM((_CHH, _LANES), jnp.int32),
        pltpu.VMEM((_CHH, _LANES), jnp.int32),
        pltpu.VMEM((_LANES, _D), jnp.float32),
        pltpu.VMEM((_LANES, _D), jnp.float32),
        pltpu.VMEM_SHARED((_NP, _D), jnp.float32),
        pltpu.SemaphoreType.DMA,
        pltpu.SemaphoreType.DMA,
        pltpu.SemaphoreType.DMA,
        pltpu.SemaphoreType.DMA,
    ],
)
def _agg_kernel(h, srcs, dsts, zeros, out, src_v, dst_v, rows_a, rows_b, acc,
                gsem_a, gsem_b, ssem_a, ssem_b):
    c = lax.axis_index("c")
    s = lax.axis_index("s")
    g = c * _NSUB + s
    r0 = s * _RPT
    pltpu.sync_copy(zeros.at[pl.ds(r0, _RPT)], acc.at[pl.ds(r0, _RPT)])
    plsc.subcore_barrier()

    for half in range(2):
        pltpu.sync_copy(srcs.at[g, pl.ds(half * _CHH, _CHH)], src_v)
        pltpu.sync_copy(dsts.at[g, pl.ds(half * _CHH, _CHH)], dst_v)
        pltpu.async_copy(h.at[src_v.at[0]], rows_a, gsem_a)
        pltpu.async_copy(h.at[src_v.at[1]], rows_b, gsem_b)

        @pl.loop(0, _CHH, step=2)
        def _(j):
            pltpu.make_async_copy(h.at[src_v.at[j]], rows_a, gsem_a).wait()
            pltpu.sync_copy(rows_a, acc.at[dst_v.at[j]], add=True)

            @pl.when(j + 2 < _CHH)
            def _():
                pltpu.async_copy(h.at[src_v.at[j + 2]], rows_a, gsem_a)

            pltpu.make_async_copy(h.at[src_v.at[j + 1]], rows_b, gsem_b).wait()
            pltpu.sync_copy(rows_b, acc.at[dst_v.at[j + 1]], add=True)

            @pl.when(j + 3 < _CHH)
            def _():
                pltpu.async_copy(h.at[src_v.at[j + 3]], rows_b, gsem_b)

    plsc.subcore_barrier()
    pltpu.sync_copy(acc.at[pl.ds(r0, _RPT)], out.at[c, pl.ds(r0, _RPT)])


_EXA = np.zeros((_BR, 8), np.float32)
_EXA[np.arange(_BR), np.arange(_BR) >> 7] = 1.0
_EXM = np.zeros((_BR, _D), np.float32)
_EXM[np.arange(_BR), np.arange(_BR) & 127] = 1.0


def _dinv(p_ref, a_ref, m_ref):
    degp = p_ref[0] + p_ref[1]
    e = jnp.dot(a_ref[...], degp, preferred_element_type=jnp.float32)
    deg = jnp.sum(e * m_ref[...], axis=1, keepdims=True) + 1.0
    return lax.rsqrt(deg)


def _l1_body(p_ref, a_ref, m_ref, x_ref, w_ref, o_ref):
    o_ref[...] = jnp.dot(x_ref[...] * _dinv(p_ref, a_ref, m_ref), w_ref[...],
                         preferred_element_type=jnp.float32)


def _l2_body(p_ref, a_ref, m_ref, s_ref, hp_ref, b_ref, w_ref, o_ref):
    dinv = _dinv(p_ref, a_ref, m_ref)
    tot = s_ref[0] + s_ref[1] + hp_ref[...]
    act = jnp.maximum(tot * dinv + b_ref[...], 0.0)
    o_ref[...] = jnp.dot(act * dinv, w_ref[...],
                         preferred_element_type=jnp.float32)


def _out_body(p_ref, a_ref, m_ref, s_ref, hp_ref, b_ref, o_ref):
    dinv = _dinv(p_ref, a_ref, m_ref)
    tot = s_ref[0] + s_ref[1] + hp_ref[...]
    o_ref[...] = jnp.maximum(tot * dinv + b_ref[...], 0.0)


_p_spec = pl.BlockSpec((_NCORES, 8, _D), lambda i: (0, i, 0))
_a_spec = pl.BlockSpec((_BR, 8), lambda i: (0, 0))
_m_spec = pl.BlockSpec((_BR, _D), lambda i: (0, 0))
_pair_spec = pl.BlockSpec((_NCORES, _BR, _D), lambda i: (0, i, 0))
_row_spec = pl.BlockSpec((_BR, _D), lambda i: (i, 0))
_w_spec = pl.BlockSpec((_D, _D), lambda i: (0, 0))
_b_spec = pl.BlockSpec((1, _D), lambda i: (0, 0))
_rows_out = jax.ShapeDtypeStruct((_N, _D), jnp.float32)

_l1 = pl.pallas_call(
    _l1_body, grid=(_GRID,),
    in_specs=[_p_spec, _a_spec, _m_spec, _row_spec, _w_spec],
    out_specs=_row_spec, out_shape=_rows_out)

_l2 = pl.pallas_call(
    _l2_body, grid=(_GRID,),
    in_specs=[_p_spec, _a_spec, _m_spec, _pair_spec, _row_spec, _b_spec, _w_spec],
    out_specs=_row_spec, out_shape=_rows_out)

_out_tc = pl.pallas_call(
    _out_body, grid=(_GRID,),
    in_specs=[_p_spec, _a_spec, _m_spec, _pair_spec, _row_spec, _b_spec],
    out_specs=_row_spec, out_shape=_rows_out)


def kernel(x, edge_index, W1, b1, W2, b2):
    n, d = x.shape
    e = edge_index.shape[1]
    pad = _EPAD - e
    padi = jnp.arange(pad, dtype=jnp.int32)
    srcs = jnp.concatenate(
        [edge_index[0], padi % n]).reshape(_NTILES, _CH, _LANES)
    dsts = jnp.concatenate(
        [edge_index[1], n + padi % (_NP - n)]).reshape(_NTILES, _CH, _LANES)
    zeros = jnp.zeros((_NP, _D), jnp.float32)
    exa = jnp.asarray(_EXA)
    exm = jnp.asarray(_EXM)
    b1r = b1.reshape(1, _D)
    b2r = b2.reshape(1, _D)

    p = _deg_kernel(dsts, zeros, jnp.arange(_HR, dtype=jnp.int32).reshape(1, _HR))
    h1 = _l1(p, exa, exm, x, W1)
    s1 = _agg_kernel(h1, srcs, dsts, zeros)
    h2 = _l2(p, exa, exm, s1, h1, b1r, W2)
    s2 = _agg_kernel(h2, srcs, dsts, zeros)
    return _out_tc(p, exa, exm, s2, h2, b2r)

# --- scband reference (transcript-rebuilt; emitter-appended) ---
"""Pipeline reference for scband-graph-net-5274219839835 (READ-ONLY COPY).

The authoritative reference and input builder live on the scoring server;
editing this copy changes nothing except your own understanding.
"""

import jax, jax.numpy as jnp
import numpy as np

N = 10000
E = 320000
D_IN = 128
D_OUT = 128


def setup_inputs(seed: int = 0) -> dict:
    key = jax.random.key(seed)
    k1, k2, k3, k4, k5, k6 = jax.random.split(key, 6)
    x = jax.random.normal(k1, (N, D_IN), dtype=jnp.float32)
    edge_index = jax.random.randint(k2, (2, E), 0, N, dtype=jnp.int32)
    # GCNConv layer 1 params (weight [in, out] layout; PyG lin uses glorot init)
    lim1 = np.sqrt(6.0 / (D_IN + D_OUT))
    W1 = jax.random.uniform(k3, (D_IN, D_OUT), dtype=jnp.float32, minval=-lim1, maxval=lim1)
    b1 = jnp.zeros((D_OUT,), dtype=jnp.float32)
    lim2 = np.sqrt(6.0 / (D_OUT + D_OUT))
    W2 = jax.random.uniform(k4, (D_OUT, D_OUT), dtype=jnp.float32, minval=-lim2, maxval=lim2)
    b2 = jnp.zeros((D_OUT,), dtype=jnp.float32)
    return {"x": x, "edge_index": edge_index, "W1": W1, "b1": b1, "W2": W2, "b2": b2}


def _gcn_layer(x, W, b, src, dst, n):
    # GCNConv: add self-loops, symmetric normalization D^-1/2 (A+I) D^-1/2 X W + b
    h = x @ W
    ones = jnp.ones((src.shape[0],), dtype=h.dtype)
    deg = jnp.zeros((n,), dtype=h.dtype).at[dst].add(ones)
    deg_inv_sqrt = jnp.where(deg > 0, jax.lax.rsqrt(jnp.where(deg > 0, deg, 1.0)), 0.0)
    norm = deg_inv_sqrt[src] * deg_inv_sqrt[dst]
    msg = h[src] * norm[:, None]
    out = jnp.zeros((n, h.shape[1]), dtype=h.dtype).at[dst].add(msg)
    return out + b


def reference(x, edge_index, W1, b1, W2, b2):
    n = x.shape[0]
    loop = jnp.arange(n, dtype=edge_index.dtype)
    src = jnp.concatenate([edge_index[0], loop])
    dst = jnp.concatenate([edge_index[1], loop])
    h = jax.nn.relu(_gcn_layer(x, W1, b1, src, dst, n))
    h = jax.nn.relu(_gcn_layer(h, W2, b2, src, dst, n))
    return h

if __name__ == "__main__":
    import jax
    _d = setup_inputs()
    print(jax.jit(kernel)(*tuple(_d.values())))

</pallas_src>

<mosaic_0001>
#map = affine_map<(d0, d1) -> (0, 0, 0)>
#map1 = affine_map<(d0, d1) -> (0, 0)>
module attributes {stable_mosaic.version = 14 : i64} {
  func.func @_deg_kernel(%arg0: i32, %arg1: i32, %arg2: memref<32x80x128xi32, #tpu.memory_space<hbm>>, %arg3: memref<10240x128xf32, #tpu.memory_space<hbm>>, %arg4: memref<1x128xi32, #tpu.memory_space<hbm>>, %arg5: memref<2x128x128xf32, #tpu.memory_space<hbm>>, %arg6: memref<80x128xi32, #tpu.memory_space<vmem>>, %arg7: memref<128x128xf32, #tpu.memory_space<vmem>>, %arg8: memref<1x128xi32, #tpu.memory_space<vmem>>, %arg9: memref<128x128xf32, #tpu.memory_space<vmem_shared>>) attributes {dimension_semantics = [#tpu.dimension_semantics<core_parallel>, #tpu.dimension_semantics<subcore_parallel>], iteration_bounds = array<i64: 2, 16>, scalar_prefetch = 0 : i64, scratch_operands = 4 : i64, tpu.core_type = #tpu.core_type<sc_vector_subcore>, window_params = [{transform_indices = #map}, {transform_indices = #map1}, {transform_indices = #map1}, {transform_indices = #map}]} {
    %mul3A = arith.constant 16 : i32
    %mul3A_0 = arith.muli %arg0, %mul3A : i32
    %add3A = arith.addi %mul3A_0, %arg1 : i32
    "tpu.region"() ({
      %run_scoped3A_14 = tpu.sem_alloc : memref<!tpu.dma_semaphore, #tpu.memory_space<semaphore_mem>>
      %dma_start3A = arith.constant 0 : i32
      %dma_start3A_15 = arith.constant 0 : i32
      %dma_start3A_16 = tpu.memref_slice %arg2[%add3A, %dma_start3A, %dma_start3A_15] : memref<32x80x128xi32, #tpu.memory_space<hbm>> -> memref<1x80x128xi32, #tpu.memory_space<hbm>>
      %dma_start3A_17 = tpu.memref_squeeze %dma_start3A_16 : memref<1x80x128xi32, #tpu.memory_space<hbm>> -> memref<80x128xi32, #tpu.memory_space<hbm>>
      %dma_start3A_18 = arith.constant 0 : i32
      %dma_start3A_19 = arith.constant 0 : i32
      %dma_start3A_20 = tpu.memref_slice %arg2[%add3A, %dma_start3A_18, %dma_start3A_19] : memref<32x80x128xi32, #tpu.memory_space<hbm>> -> memref<1x80x128xi32, #tpu.memory_space<hbm>>
      %dma_start3A_21 = tpu.memref_squeeze %dma_start3A_20 : memref<1x80x128xi32, #tpu.memory_space<hbm>> -> memref<80x128xi32, #tpu.memory_space<hbm>>
      tpu.enqueue_dma source(%dma_start3A_21 : memref<80x128xi32, #tpu.memory_space<hbm>>) target(%arg6 : memref<80x128xi32, #tpu.memory_space<vmem>>) target_semaphore(%run_scoped3A_14 : memref<!tpu.dma_semaphore, #tpu.memory_space<semaphore_mem>>)
      %dma_wait3A = arith.constant 0 : i32
      %dma_wait3A_22 = arith.constant 0 : i32
      %dma_wait3A_23 = tpu.memref_slice %arg2[%add3A, %dma_wait3A, %dma_wait3A_22] : memref<32x80x128xi32, #tpu.memory_space<hbm>> -> memref<1x80x128xi32, #tpu.memory_space<hbm>>
      %dma_wait3A_24 = tpu.memref_squeeze %dma_wait3A_23 : memref<1x80x128xi32, #tpu.memory_space<hbm>> -> memref<80x128xi32, #tpu.memory_space<hbm>>
      %dma_wait3A_25 = arith.constant 0 : i32
      %dma_wait3A_26 = arith.constant 0 : i32
      %dma_wait3A_27 = tpu.memref_slice %arg2[%add3A, %dma_wait3A_25, %dma_wait3A_26] : memref<32x80x128xi32, #tpu.memory_space<hbm>> -> memref<1x80x128xi32, #tpu.memory_space<hbm>>
      %dma_wait3A_28 = tpu.memref_squeeze %dma_wait3A_27 : memref<1x80x128xi32, #tpu.memory_space<hbm>> -> memref<80x128xi32, #tpu.memory_space<hbm>>
      tpu.wait_dma2 semaphore(%run_scoped3A_14 : memref<!tpu.dma_semaphore, #tpu.memory_space<semaphore_mem>>) src(%dma_wait3A_28 : memref<80x128xi32, #tpu.memory_space<hbm>>) dst(%arg6 : memref<80x128xi32, #tpu.memory_space<vmem>>)
      tpu.yield
    }) : () -> ()
    "tpu.region"() ({
      %run_scoped3A_14 = tpu.sem_alloc : memref<!tpu.dma_semaphore, #tpu.memory_space<semaphore_mem>>
      tpu.enqueue_dma source(%arg4 : memref<1x128xi32, #tpu.memory_space<hbm>>) target(%arg8 : memref<1x128xi32, #tpu.memory_space<vmem>>) target_semaphore(%run_scoped3A_14 : memref<!tpu.dma_semaphore, #tpu.memory_space<semaphore_mem>>)
      tpu.wait_dma2 semaphore(%run_scoped3A_14 : memref<!tpu.dma_semaphore, #tpu.memory_space<semaphore_mem>>) src(%arg4 : memref<1x128xi32, #tpu.memory_space<hbm>>) dst(%arg8 : memref<1x128xi32, #tpu.memory_space<vmem>>)
      tpu.yield
    }) : () -> ()
    "tpu.region"() ({
      %run_scoped3A_14 = tpu.sem_alloc : memref<!tpu.dma_semaphore, #tpu.memory_space<semaphore_mem>>
      %dma_start3A = arith.constant 0 : i32
      %dma_start3A_15 = arith.constant 0 : i32
      %dma_start3A_16 = tpu.memref_slice %arg3[%dma_start3A, %dma_start3A_15] : memref<10240x128xf32, #tpu.memory_space<hbm>> -> memref<128x128xf32, #tpu.memory_space<hbm>>
      %dma_start3A_17 = arith.constant 0 : i32
      %dma_start3A_18 = arith.constant 0 : i32
      %dma_start3A_19 = tpu.memref_slice %arg3[%dma_start3A_17, %dma_start3A_18] : memref<10240x128xf32, #tpu.memory_space<hbm>> -> memref<128x128xf32, #tpu.memory_space<hbm>>
      tpu.enqueue_dma source(%dma_start3A_19 : memref<128x128xf32, #tpu.memory_space<hbm>>) target(%arg7 : memref<128x128xf32, #tpu.memory_space<vmem>>) target_semaphore(%run_scoped3A_14 : memref<!tpu.dma_semaphore, #tpu.memory_space<semaphore_mem>>)
      %dma_wait3A = arith.constant 0 : i32
      %dma_wait3A_20 = arith.constant 0 : i32
      %dma_wait3A_21 = tpu.memref_slice %arg3[%dma_wait3A, %dma_wait3A_20] : memref<10240x128xf32, #tpu.memory_space<hbm>> -> memref<128x128xf32, #tpu.memory_space<hbm>>
      %dma_wait3A_22 = arith.constant 0 : i32
      %dma_wait3A_23 = arith.constant 0 : i32
      %dma_wait3A_24 = tpu.memref_slice %arg3[%dma_wait3A_22, %dma_wait3A_23] : memref<10240x128xf32, #tpu.memory_space<hbm>> -> memref<128x128xf32, #tpu.memory_space<hbm>>
      tpu.wait_dma2 semaphore(%run_scoped3A_14 : memref<!tpu.dma_semaphore, #tpu.memory_space<semaphore_mem>>) src(%dma_wait3A_24 : memref<128x128xf32, #tpu.memory_space<hbm>>) dst(%arg7 : memref<128x128xf32, #tpu.memory_space<vmem>>)
      tpu.yield
    }) : () -> ()
    %mul3A_1 = arith.constant 8 : i32
    %mul3A_2 = arith.muli %arg1, %mul3A_1 : i32
    %mul3A_3 = arith.constant 8 : i32
    %mul3A_4 = arith.muli %arg1, %mul3A_3 : i32
    "tpu.region"() ({
      %run_scoped3A_14 = tpu.sem_alloc : memref<!tpu.dma_semaphore, #tpu.memory_space<semaphore_mem>>
      %dma_start3A = arith.constant 0 : i32
      %dma_start3A_15 = tpu.memref_slice %arg9[%mul3A_4, %dma_start3A] : memref<128x128xf32, #tpu.memory_space<vmem_shared>> -> memref<8x128xf32, #tpu.memory_space<vmem_shared>>
      %dma_start3A_16 = arith.constant 0 : i32
      %dma_start3A_17 = tpu.memref_slice %arg3[%mul3A_2, %dma_start3A_16] : memref<10240x128xf32, #tpu.memory_space<hbm>> -> memref<8x128xf32, #tpu.memory_space<hbm>>
      tpu.enqueue_dma source(%dma_start3A_17 : memref<8x128xf32, #tpu.memory_space<hbm>>) target(%dma_start3A_15 : memref<8x128xf32, #tpu.memory_space<vmem_shared>>) target_semaphore(%run_scoped3A_14 : memref<!tpu.dma_semaphore, #tpu.memory_space<semaphore_mem>>)
      %dma_wait3A = arith.constant 0 : i32
      %dma_wait3A_18 = tpu.memref_slice %arg9[%mul3A_4, %dma_wait3A] : memref<128x128xf32, #tpu.memory_space<vmem_shared>> -> memref<8x128xf32, #tpu.memory_space<vmem_shared>>
      %dma_wait3A_19 = arith.constant 0 : i32
      %dma_wait3A_20 = tpu.memref_slice %arg3[%mul3A_2, %dma_wait3A_19] : memref<10240x128xf32, #tpu.memory_space<hbm>> -> memref<8x128xf32, #tpu.memory_space<hbm>>
      tpu.wait_dma2 semaphore(%run_scoped3A_14 : memref<!tpu.dma_semaphore, #tpu.memory_space<semaphore_mem>>) src(%dma_wait3A_20 : memref<8x128xf32, #tpu.memory_space<hbm>>) dst(%dma_wait3A_18 : memref<8x128xf32, #tpu.memory_space<vmem_shared>>)
      tpu.yield
    }) : () -> ()
    %scan3A = arith.constant 0 : i32
    %scan3A_5 = arith.constant 80 : i32
    %scan3A_6 = arith.addi %scan3A, %scan3A_5 : i32
    %scan3A_7 = arith.constant 1 : i32
    scf.for %scan3A_14 = %scan3A to %scan3A_6 step %scan3A_7  : i32 {
      %mul3A_15 = arith.constant 1 : i32
      %mul3A_16 = arith.muli %scan3A_14, %mul3A_15 : i32
      %add3A_17 = arith.constant 0 : i32
      %add3A_18 = arith.addi %add3A_17, %mul3A_16 : i32
      %get3A = arith.index_cast %add3A_18 : i32 to index
      %get3A_19 = arith.constant 0 : index
      %get3A_20 = tpu.vector_load %arg6[%get3A, %get3A_19] {strides = array<i32>} : memref<80x128xi32, #tpu.memory_space<vmem>>, vector<16xi32>,
      %mul3A_21 = arith.constant 67109 : i32
      %mul3A_22 = vector.broadcast %mul3A_21 : i32 to vector<16xi32>
      %mul3A_23 = arith.muli %get3A_20, %mul3A_22 : vector<16xi32>
      %shift_right_arithmetic3A = arith.constant 26 : i32
      %shift_right_arithmetic3A_24 = vector.broadcast %shift_right_arithmetic3A : i32 to vector<16xi32>
      %shift_right_arithmetic3A_25 = arith.shrsi %mul3A_23, %shift_right_arithmetic3A_24 : vector<16xi32>
      %mul3A_26 = arith.constant 1024 : i32
      %mul3A_27 = vector.broadcast %mul3A_26 : i32 to vector<16xi32>
      %mul3A_28 = arith.muli %shift_right_arithmetic3A_25, %mul3A_27 : vector<16xi32>
      %mul3A_29 = arith.constant 1000 : i32
      %mul3A_30 = vector.broadcast %mul3A_29 : i32 to vector<16xi32>
      %mul3A_31 = arith.muli %shift_right_arithmetic3A_25, %mul3A_30 : vector<16xi32>
      %sub3A = arith.subi %get3A_20, %mul3A_31 : vector<16xi32>
      %add3A_32 = arith.addi %mul3A_28, %sub3A : vector<16xi32>
      %shift_right_arithmetic3A_33 = arith.constant 7 : i32
      %shift_right_arithmetic3A_34 = vector.broadcast %shift_right_arithmetic3A_33 : i32 to vector<16xi32>
      %shift_right_arithmetic3A_35 = arith.shrsi %add3A_32, %shift_right_arithmetic3A_34 : vector<16xi32>
      %and3A = arith.constant 127 : i32
      %and3A_36 = vector.broadcast %and3A : i32 to vector<16xi32>
      %and3A_37 = arith.andi %add3A_32, %and3A_36 : vector<16xi32>
      %broadcast_in_dim3A = arith.constant true
      %broadcast_in_dim3A_38 = vector.broadcast %broadcast_in_dim3A : i1 to vector<16xi1>
      %unique3A, %unique3A_39 = tpu.scan_count mask(%broadcast_in_dim3A_38 : vector<16xi1>) value(%get3A_20 : vector<16xi32>) : vector<16xi1>, vector<16xi32>
      %convert_element_type3A = arith.sitofp %unique3A_39 : vector<16xi32> to vector<16xf32>
      tpu.vector_store_idx %arg7[%shift_right_arithmetic3A_35, %and3A_37], %convert_element_type3A masked %unique3A {add = true} : memref<128x128xf32, #tpu.memory_space<vmem>>[vector<16xi32>, vector<16xi32>], vector<16xf32>, vector<16xi1>
      %get3A_40 = arith.index_cast %add3A_18 : i32 to index
      %get3A_41 = arith.constant 16 : index
      %get3A_42 = tpu.vector_load %arg6[%get3A_40, %get3A_41] {strides = array<i32>} : memref<80x128xi32, #tpu.memory_space<vmem>>, vector<16xi32>,
      %mul3A_43 = arith.constant 67109 : i32
      %mul3A_44 = vector.broadcast %mul3A_43 : i32 to vector<16xi32>
      %mul3A_45 = arith.muli %get3A_42, %mul3A_44 : vector<16xi32>
      %shift_right_arithmetic3A_46 = arith.constant 26 : i32
      %shift_right_arithmetic3A_47 = vector.broadcast %shift_right_arithmetic3A_46 : i32 to vector<16xi32>
      %shift_right_arithmetic3A_48 = arith.shrsi %mul3A_45, %shift_right_arithmetic3A_47 : vector<16xi32>
      %mul3A_49 = arith.constant 1024 : i32
      %mul3A_50 = vector.broadcast %mul3A_49 : i32 to vector<16xi32>
      %mul3A_51 = arith.muli %shift_right_arithmetic3A_48, %mul3A_50 : vector<16xi32>
      %mul3A_52 = arith.constant 1000 : i32
      %mul3A_53 = vector.broadcast %mul3A_52 : i32 to vector<16xi32>
      %mul3A_54 = arith.muli %shift_right_arithmetic3A_48, %mul3A_53 : vector<16xi32>
      %sub3A_55 = arith.subi %get3A_42, %mul3A_54 : vector<16xi32>
      %add3A_56 = arith.addi %mul3A_51, %sub3A_55 : vector<16xi32>
      %shift_right_arithmetic3A_57 = arith.constant 7 : i32
      %shift_right_arithmetic3A_58 = vector.broadcast %shift_right_arithmetic3A_57 : i32 to vector<16xi32>
      %shift_right_arithmetic3A_59 = arith.shrsi %add3A_56, %shift_right_arithmetic3A_58 : vector<16xi32>
      %and3A_60 = arith.constant 127 : i32
      %and3A_61 = vector.broadcast %and3A_60 : i32 to vector<16xi32>
      %and3A_62 = arith.andi %add3A_56, %and3A_61 : vector<16xi32>
      %broadcast_in_dim3A_63 = arith.constant true
      %broadcast_in_dim3A_64 = vector.broadcast %broadcast_in_dim3A_63 : i1 to vector<16xi1>
      %unique3A_65, %unique3A_66 = tpu.scan_count mask(%broadcast_in_dim3A_64 : vector<16xi1>) value(%get3A_42 : vector<16xi32>) : vector<16xi1>, vector<16xi32>
      %convert_element_type3A_67 = arith.sitofp %unique3A_66 : vector<16xi32> to vector<16xf32>
      tpu.vector_store_idx %arg7[%shift_right_arithmetic3A_59, %and3A_62], %convert_element_type3A_67 masked %unique3A_65 {add = true} : memref<128x128xf32, #tpu.memory_space<vmem>>[vector<16xi32>, vector<16xi32>], vector<16xf32>, vector<16xi1>
      %get3A_68 = arith.index_cast %add3A_18 : i32 to index
      %get3A_69 = arith.constant 32 : index
      %get3A_70 = tpu.vector_load %arg6[%get3A_68, %get3A_69] {strides = array<i32>} : memref<80x128xi32, #tpu.memory_space<vmem>>, vector<16xi32>,
      %mul3A_71 = arith.constant 67109 : i32
      %mul3A_72 = vector.broadcast %mul3A_71 : i32 to vector<16xi32>
      %mul3A_73 = arith.muli %get3A_70, %mul3A_72 : vector<16xi32>
      %shift_right_arithmetic3A_74 = arith.constant 26 : i32
      %shift_right_arithmetic3A_75 = vector.broadcast %shift_right_arithmetic3A_74 : i32 to vector<16xi32>
      %shift_right_arithmetic3A_76 = arith.shrsi %mul3A_73, %shift_right_arithmetic3A_75 : vector<16xi32>
      %mul3A_77 = arith.constant 1024 : i32
      %mul3A_78 = vector.broadcast %mul3A_77 : i32 to vector<16xi32>
      %mul3A_79 = arith.muli %shift_right_arithmetic3A_76, %mul3A_78 : vector<16xi32>
      %mul3A_80 = arith.constant 1000 : i32
      %mul3A_81 = vector.broadcast %mul3A_80 : i32 to vector<16xi32>
      %mul3A_82 = arith.muli %shift_right_arithmetic3A_76, %mul3A_81 : vector<16xi32>
      %sub3A_83 = arith.subi %get3A_70, %mul3A_82 : vector<16xi32>
      %add3A_84 = arith.addi %mul3A_79, %sub3A_83 : vector<16xi32>
      %shift_right_arithmetic3A_85 = arith.constant 7 : i32
      %shift_right_arithmetic3A_86 = vector.broadcast %shift_right_arithmetic3A_85 : i32 to vector<16xi32>
      %shift_right_arithmetic3A_87 = arith.shrsi %add3A_84, %shift_right_arithmetic3A_86 : vector<16xi32>
      %and3A_88 = arith.constant 127 : i32
      %and3A_89 = vector.broadcast %and3A_88 : i32 to vector<16xi32>
      %and3A_90 = arith.andi %add3A_84, %and3A_89 : vector<16xi32>
      %broadcast_in_dim3A_91 = arith.constant true
      %broadcast_in_dim3A_92 = vector.broadcast %broadcast_in_dim3A_91 : i1 to vector<16xi1>
      %unique3A_93, %unique3A_94 = tpu.scan_count mask(%broadcast_in_dim3A_92 : vector<16xi1>) value(%get3A_70 : vector<16xi32>) : vector<16xi1>, vector<16xi32>
      %convert_element_type3A_95 = arith.sitofp %unique3A_94 : vector<16xi32> to vector<16xf32>
      tpu.vector_store_idx %arg7[%shift_right_arithmetic3A_87, %and3A_90], %convert_element_type3A_95 masked %unique3A_93 {add = true} : memref<128x128xf32, #tpu.memory_space<vmem>>[vector<16xi32>, vector<16xi32>], vector<16xf32>, vector<16xi1>
      %get3A_96 = arith.index_cast %add3A_18 : i32 to index
      %get3A_97 = arith.constant 48 : index
      %get3A_98 = tpu.vector_load %arg6[%get3A_96, %get3A_97] {strides = array<i32>} : memref<80x128xi32, #tpu.memory_space<vmem>>, vector<16xi32>,
      %mul3A_99 = arith.constant 67109 : i32
      %mul3A_100 = vector.broadcast %mul3A_99 : i32 to vector<16xi32>
      %mul3A_101 = arith.muli %get3A_98, %mul3A_100 : vector<16xi32>
      %shift_right_arithmetic3A_102 = arith.constant 26 : i32
      %shift_right_arithmetic3A_103 = vector.broadcast %shift_right_arithmetic3A_102 : i32 to vector<16xi32>
      %shift_right_arithmetic3A_104 = arith.shrsi %mul3A_101, %shift_right_arithmetic3A_103 : vector<16xi32>
      %mul3A_105 = arith.constant 1024 : i32
      %mul3A_106 = vector.broadcast %mul3A_105 : i32 to vector<16xi32>
      %mul3A_107 = arith.muli %shift_right_arithmetic3A_104, %mul3A_106 : vector<16xi32>
      %mul3A_108 = arith.constant 1000 : i32
      %mul3A_109 = vector.broadcast %mul3A_108 : i32 to vector<16xi32>
      %mul3A_110 = arith.muli %shift_right_arithmetic3A_104, %mul3A_109 : vector<16xi32>
      %sub3A_111 = arith.subi %get3A_98, %mul3A_110 : vector<16xi32>
      %add3A_112 = arith.addi %mul3A_107, %sub3A_111 : vector<16xi32>
      %shift_right_arithmetic3A_113 = arith.constant 7 : i32
      %shift_right_arithmetic3A_114 = vector.broadcast %shift_right_arithmetic3A_113 : i32 to vector<16xi32>
      %shift_right_arithmetic3A_115 = arith.shrsi %add3A_112, %shift_right_arithmetic3A_114 : vector<16xi32>
      %and3A_116 = arith.constant 127 : i32
      %and3A_117 = vector.broadcast %and3A_116 : i32 to vector<16xi32>
      %and3A_118 = arith.andi %add3A_112, %and3A_117 : vector<16xi32>
      %broadcast_in_dim3A_119 = arith.constant true
      %broadcast_in_dim3A_120 = vector.broadcast %broadcast_in_dim3A_119 : i1 to vector<16xi1>
      %unique3A_121, %unique3A_122 = tpu.scan_count mask(%broadcast_in_dim3A_120 : vector<16xi1>) value(%get3A_98 : vector<16xi32>) : vector<16xi1>, vector<16xi32>
      %convert_element_type3A_123 = arith.sitofp %unique3A_122 : vector<16xi32> to vector<16xf32>
      tpu.vector_store_idx %arg7[%shift_right_arithmetic3A_115, %and3A_118], %convert_element_type3A_123 masked %unique3A_121 {add = true} : memref<128x128xf32, #tpu.memory_space<vmem>>[vector<16xi32>, vector<16xi32>], vector<16xf32>, vector<16xi1>
      %get3A_124 = arith.index_cast %add3A_18 : i32 to index
      %get3A_125 = arith.constant 64 : index
      %get3A_126 = tpu.vector_load %arg6[%get3A_124, %get3A_125] {strides = array<i32>} : memref<80x128xi32, #tpu.memory_space<vmem>>, vector<16xi32>,
      %mul3A_127 = arith.constant 67109 : i32
      %mul3A_128 = vector.broadcast %mul3A_127 : i32 to vector<16xi32>
      %mul3A_129 = arith.muli %get3A_126, %mul3A_128 : vector<16xi32>
      %shift_right_arithmetic3A_130 = arith.constant 26 : i32
      %shift_right_arithmetic3A_131 = vector.broadcast %shift_right_arithmetic3A_130 : i32 to vector<16xi32>
      %shift_right_arithmetic3A_132 = arith.shrsi %mul3A_129, %shift_right_arithmetic3A_131 : vector<16xi32>
      %mul3A_133 = arith.constant 1024 : i32
      %mul3A_134 = vector.broadcast %mul3A_133 : i32 to vector<16xi32>
      %mul3A_135 = arith.muli %shift_right_arithmetic3A_132, %mul3A_134 : vector<16xi32>
      %mul3A_136 = arith.constant 1000 : i32
      %mul3A_137 = vector.broadcast %mul3A_136 : i32 to vector<16xi32>
      %mul3A_138 = arith.muli %shift_right_arithmetic3A_132, %mul3A_137 : vector<16xi32>
      %sub3A_139 = arith.subi %get3A_126, %mul3A_138 : vector<16xi32>
      %add3A_140 = arith.addi %mul3A_135, %sub3A_139 : vector<16xi32>
      %shift_right_arithmetic3A_141 = arith.constant 7 : i32
      %shift_right_arithmetic3A_142 = vector.broadcast %shift_right_arithmetic3A_141 : i32 to vector<16xi32>
      %shift_right_arithmetic3A_143 = arith.shrsi %add3A_140, %shift_right_arithmetic3A_142 : vector<16xi32>
      %and3A_144 = arith.constant 127 : i32
      %and3A_145 = vector.broadcast %and3A_144 : i32 to vector<16xi32>
      %and3A_146 = arith.andi %add3A_140, %and3A_145 : vector<16xi32>
      %broadcast_in_dim3A_147 = arith.constant true
      %broadcast_in_dim3A_148 = vector.broadcast %broadcast_in_dim3A_147 : i1 to vector<16xi1>
      %unique3A_149, %unique3A_150 = tpu.scan_count mask(%broadcast_in_dim3A_148 : vector<16xi1>) value(%get3A_126 : vector<16xi32>) : vector<16xi1>, vector<16xi32>
      %convert_element_type3A_151 = arith.sitofp %unique3A_150 : vector<16xi32> to vector<16xf32>
      tpu.vector_store_idx %arg7[%shift_right_arithmetic3A_143, %and3A_146], %convert_element_type3A_151 masked %unique3A_149 {add = true} : memref<128x128xf32, #tpu.memory_space<vmem>>[vector<16xi32>, vector<16xi32>], vector<16xf32>, vector<16xi1>
      %get3A_152 = arith.index_cast %add3A_18 : i32 to index
      %get3A_153 = arith.constant 80 : index
      %get3A_154 = tpu.vector_load %arg6[%get3A_152, %get3A_153] {strides = array<i32>} : memref<80x128xi32, #tpu.memory_space<vmem>>, vector<16xi32>,
      %mul3A_155 = arith.constant 67109 : i32
      %mul3A_156 = vector.broadcast %mul3A_155 : i32 to vector<16xi32>
      %mul3A_157 = arith.muli %get3A_154, %mul3A_156 : vector<16xi32>
      %shift_right_arithmetic3A_158 = arith.constant 26 : i32
      %shift_right_arithmetic3A_159 = vector.broadcast %shift_right_arithmetic3A_158 : i32 to vector<16xi32>
      %shift_right_arithmetic3A_160 = arith.shrsi %mul3A_157, %shift_right_arithmetic3A_159 : vector<16xi32>
      %mul3A_161 = arith.constant 1024 : i32
      %mul3A_162 = vector.broadcast %mul3A_161 : i32 to vector<16xi32>
      %mul3A_163 = arith.muli %shift_right_arithmetic3A_160, %mul3A_162 : vector<16xi32>
      %mul3A_164 = arith.constant 1000 : i32
      %mul3A_165 = vector.broadcast %mul3A_164 : i32 to vector<16xi32>
      %mul3A_166 = arith.muli %shift_right_arithmetic3A_160, %mul3A_165 : vector<16xi32>
      %sub3A_167 = arith.subi %get3A_154, %mul3A_166 : vector<16xi32>
      %add3A_168 = arith.addi %mul3A_163, %sub3A_167 : vector<16xi32>
      %shift_right_arithmetic3A_169 = arith.constant 7 : i32
      %shift_right_arithmetic3A_170 = vector.broadcast %shift_right_arithmetic3A_169 : i32 to vector<16xi32>
      %shift_right_arithmetic3A_171 = arith.shrsi %add3A_168, %shift_right_arithmetic3A_170 : vector<16xi32>
      %and3A_172 = arith.constant 127 : i32
      %and3A_173 = vector.broadcast %and3A_172 : i32 to vector<16xi32>
      %and3A_174 = arith.andi %add3A_168, %and3A_173 : vector<16xi32>
      %broadcast_in_dim3A_175 = arith.constant true
      %broadcast_in_dim3A_176 = vector.broadcast %broadcast_in_dim3A_175 : i1 to vector<16xi1>
      %unique3A_177, %unique3A_178 = tpu.scan_count mask(%broadcast_in_dim3A_176 : vector<16xi1>) value(%get3A_154 : vector<16xi32>) : vector<16xi1>, vector<16xi32>
      %convert_element_type3A_179 = arith.sitofp %unique3A_178 : vector<16xi32> to vector<16xf32>
      tpu.vector_store_idx %arg7[%shift_right_arithmetic3A_171, %and3A_174], %convert_element_type3A_179 masked %unique3A_177 {add = true} : memref<128x128xf32, #tpu.memory_space<vmem>>[vector<16xi32>, vector<16xi32>], vector<16xf32>, vector<16xi1>
      %get3A_180 = arith.index_cast %add3A_18 : i32 to index
      %get3A_181 = arith.constant 96 : index
      %get3A_182 = tpu.vector_load %arg6[%get3A_180, %get3A_181] {strides = array<i32>} : memref<80x128xi32, #tpu.memory_space<vmem>>, vector<16xi32>,
      %mul3A_183 = arith.constant 67109 : i32
      %mul3A_184 = vector.broadcast %mul3A_183 : i32 to vector<16xi32>
      %mul3A_185 = arith.muli %get3A_182, %mul3A_184 : vector<16xi32>
      %shift_right_arithmetic3A_186 = arith.constant 26 : i32
      %shift_right_arithmetic3A_187 = vector.broadcast %shift_right_arithmetic3A_186 : i32 to vector<16xi32>
      %shift_right_arithmetic3A_188 = arith.shrsi %mul3A_185, %shift_right_arithmetic3A_187 : vector<16xi32>
      %mul3A_189 = arith.constant 1024 : i32
      %mul3A_190 = vector.broadcast %mul3A_189 : i32 to vector<16xi32>
      %mul3A_191 = arith.muli %shift_right_arithmetic3A_188, %mul3A_190 : vector<16xi32>
      %mul3A_192 = arith.constant 1000 : i32
      %mul3A_193 = vector.broadcast %mul3A_192 : i32 to vector<16xi32>
      %mul3A_194 = arith.muli %shift_right_arithmetic3A_188, %mul3A_193 : vector<16xi32>
      %sub3A_195 = arith.subi %get3A_182, %mul3A_194 : vector<16xi32>
      %add3A_196 = arith.addi %mul3A_191, %sub3A_195 : vector<16xi32>
      %shift_right_arithmetic3A_197 = arith.constant 7 : i32
      %shift_right_arithmetic3A_198 = vector.broadcast %shift_right_arithmetic3A_197 : i32 to vector<16xi32>
      %shift_right_arithmetic3A_199 = arith.shrsi %add3A_196, %shift_right_arithmetic3A_198 : vector<16xi32>
      %and3A_200 = arith.constant 127 : i32
      %and3A_201 = vector.broadcast %and3A_200 : i32 to vector<16xi32>
      %and3A_202 = arith.andi %add3A_196, %and3A_201 : vector<16xi32>
      %broadcast_in_dim3A_203 = arith.constant true
      %broadcast_in_dim3A_204 = vector.broadcast %broadcast_in_dim3A_203 : i1 to vector<16xi1>
      %unique3A_205, %unique3A_206 = tpu.scan_count mask(%broadcast_in_dim3A_204 : vector<16xi1>) value(%get3A_182 : vector<16xi32>) : vector<16xi1>, vector<16xi32>
      %convert_element_type3A_207 = arith.sitofp %unique3A_206 : vector<16xi32> to vector<16xf32>
      tpu.vector_store_idx %arg7[%shift_right_arithmetic3A_199, %and3A_202], %convert_element_type3A_207 masked %unique3A_205 {add = true} : memref<128x128xf32, #tpu.memory_space<vmem>>[vector<16xi32>, vector<16xi32>], vector<16xf32>, vector<16xi1>
      %get3A_208 = arith.index_cast %add3A_18 : i32 to index
      %get3A_209 = arith.constant 112 : index
      %get3A_210 = tpu.vector_load %arg6[%get3A_208, %get3A_209] {strides = array<i32>} : memref<80x128xi32, #tpu.memory_space<vmem>>, vector<16xi32>,
      %mul3A_211 = arith.constant 67109 : i32
      %mul3A_212 = vector.broadcast %mul3A_211 : i32 to vector<16xi32>
      %mul3A_213 = arith.muli %get3A_210, %mul3A_212 : vector<16xi32>
      %shift_right_arithmetic3A_214 = arith.constant 26 : i32
      %shift_right_arithmetic3A_215 = vector.broadcast %shift_right_arithmetic3A_214 : i32 to vector<16xi32>
      %shift_right_arithmetic3A_216 = arith.shrsi %mul3A_213, %shift_right_arithmetic3A_215 : vector<16xi32>
      %mul3A_217 = arith.constant 1024 : i32
      %mul3A_218 = vector.broadcast %mul3A_217 : i32 to vector<16xi32>
      %mul3A_219 = arith.muli %shift_right_arithmetic3A_216, %mul3A_218 : vector<16xi32>
      %mul3A_220 = arith.constant 1000 : i32
      %mul3A_221 = vector.broadcast %mul3A_220 : i32 to vector<16xi32>
      %mul3A_222 = arith.muli %shift_right_arithmetic3A_216, %mul3A_221 : vector<16xi32>
      %sub3A_223 = arith.subi %get3A_210, %mul3A_222 : vector<16xi32>
      %add3A_224 = arith.addi %mul3A_219, %sub3A_223 : vector<16xi32>
      %shift_right_arithmetic3A_225 = arith.constant 7 : i32
      %shift_right_arithmetic3A_226 = vector.broadcast %shift_right_arithmetic3A_225 : i32 to vector<16xi32>
      %shift_right_arithmetic3A_227 = arith.shrsi %add3A_224, %shift_right_arithmetic3A_226 : vector<16xi32>
      %and3A_228 = arith.constant 127 : i32
      %and3A_229 = vector.broadcast %and3A_228 : i32 to vector<16xi32>
      %and3A_230 = arith.andi %add3A_224, %and3A_229 : vector<16xi32>
      %broadcast_in_dim3A_231 = arith.constant true
      %broadcast_in_dim3A_232 = vector.broadcast %broadcast_in_dim3A_231 : i1 to vector<16xi1>
      %unique3A_233, %unique3A_234 = tpu.scan_count mask(%broadcast_in_dim3A_232 : vector<16xi1>) value(%get3A_210 : vector<16xi32>) : vector<16xi1>, vector<16xi32>
      %convert_element_type3A_235 = arith.sitofp %unique3A_234 : vector<16xi32> to vector<16xf32>
      tpu.vector_store_idx %arg7[%shift_right_arithmetic3A_227, %and3A_230], %convert_element_type3A_235 masked %unique3A_233 {add = true} : memref<128x128xf32, #tpu.memory_space<vmem>>[vector<16xi32>, vector<16xi32>], vector<16xf32>, vector<16xi1>
    }
    %scan3A_8 = arith.constant 80 : i32
    %barrier3A = arith.constant 0 : index
    tpu.barrier barrier_id(%barrier3A)
    %run_scoped3A = arith.constant 0 : i32
    "tpu.region"() ({
      %run_scoped3A_14 = tpu.sem_alloc : memref<!tpu.dma_semaphore, #tpu.memory_space<semaphore_mem>>
      %dma_start3A = arith.constant 0 : i32
      %dma_start3A_15 = tpu.memref_slice %arg8[%run_scoped3A, %dma_start3A] : memref<1x128xi32, #tpu.memory_space<vmem>> -> memref<1x128xi32, #tpu.memory_space<vmem>>
      %dma_start3A_16 = tpu.memref_squeeze %dma_start3A_15 : memref<1x128xi32, #tpu.memory_space<vmem>> -> memref<128xi32, #tpu.memory_space<vmem>>
      %dma_start3A_17 = arith.constant 0 : i32
      %dma_start3A_18 = arith.constant 0 : i32
      %dma_start3A_19 = tpu.memref_slice %arg9[%dma_start3A_17, %dma_start3A_18] : memref<128x128xf32, #tpu.memory_space<vmem_shared>> -> memref<128x128xf32, #tpu.memory_space<vmem_shared>>
      tpu.enqueue_indirect_dma source(%arg7 : memref<128x128xf32, #tpu.memory_space<vmem>>) target(%dma_start3A_19 : memref<128x128xf32, #tpu.memory_space<vmem_shared>>) offsets(%dma_start3A_16 : memref<128xi32, #tpu.memory_space<vmem>>) semaphore(%run_scoped3A_14 : memref<!tpu.dma_semaphore, #tpu.memory_space<semaphore_mem>>) {add = true}
      %dma_wait3A = arith.constant 0 : i32
      %dma_wait3A_20 = tpu.memref_slice %arg8[%run_scoped3A, %dma_wait3A] : memref<1x128xi32, #tpu.memory_space<vmem>> -> memref<1x128xi32, #tpu.memory_space<vmem>>
      %dma_wait3A_21 = tpu.memref_squeeze %dma_wait3A_20 : memref<1x128xi32, #tpu.memory_space<vmem>> -> memref<128xi32, #tpu.memory_space<vmem>>
      %dma_wait3A_22 = arith.constant 0 : i32
      %dma_wait3A_23 = arith.constant 0 : i32
      %dma_wait3A_24 = tpu.memref_slice %arg9[%dma_wait3A_22, %dma_wait3A_23] : memref<128x128xf32, #tpu.memory_space<vmem_shared>> -> memref<128x128xf32, #tpu.memory_space<vmem_shared>>
      tpu.wait_indirect_dma semaphore(%run_scoped3A_14 : memref<!tpu.dma_semaphore, #tpu.memory_space<semaphore_mem>>) src(%arg7 : memref<128x128xf32, #tpu.memory_space<vmem>>) dst(%dma_wait3A_24 : memref<128x128xf32, #tpu.memory_space<vmem_shared>>)
      tpu.yield
    }) : () -> ()
    %barrier3A_9 = arith.constant 0 : index
    tpu.barrier barrier_id(%barrier3A_9)
    %mul3A_10 = arith.constant 8 : i32
    %mul3A_11 = arith.muli %arg1, %mul3A_10 : i32
    %mul3A_12 = arith.constant 8 : i32
    %mul3A_13 = arith.muli %arg1, %mul3A_12 : i32
    "tpu.region"() ({
      %run_scoped3A_14 = tpu.sem_alloc : memref<!tpu.dma_semaphore, #tpu.memory_space<semaphore_mem>>
      %dma_start3A = arith.constant 0 : i32
      %dma_start3A_15 = tpu.memref_slice %arg5[%arg0, %mul3A_13, %dma_start3A] : memref<2x128x128xf32, #tpu.memory_space<hbm>> -> memref<1x8x128xf32, #tpu.memory_space<hbm>>
      %dma_start3A_16 = tpu.memref_squeeze %dma_start3A_15 : memref<1x8x128xf32, #tpu.memory_space<hbm>> -> memref<8x128xf32, #tpu.memory_space<hbm>>
      %dma_start3A_17 = arith.constant 0 : i32
      %dma_start3A_18 = tpu.memref_slice %arg9[%mul3A_11, %dma_start3A_17] : memref<128x128xf32, #tpu.memory_space<vmem_shared>> -> memref<8x128xf32, #tpu.memory_space<vmem_shared>>
      tpu.enqueue_dma source(%dma_start3A_18 : memref<8x128xf32, #tpu.memory_space<vmem_shared>>) target(%dma_start3A_16 : memref<8x128xf32, #tpu.memory_space<hbm>>) target_semaphore(%run_scoped3A_14 : memref<!tpu.dma_semaphore, #tpu.memory_space<semaphore_mem>>)
      %dma_wait3A = arith.constant 0 : i32
      %dma_wait3A_19 = tpu.memref_slice %arg5[%arg0, %mul3A_13, %dma_wait3A] : memref<2x128x128xf32, #tpu.memory_space<hbm>> -> memref<1x8x128xf32, #tpu.memory_space<hbm>>
      %dma_wait3A_20 = tpu.memref_squeeze %dma_wait3A_19 : memref<1x8x128xf32, #tpu.memory_space<hbm>> -> memref<8x128xf32, #tpu.memory_space<hbm>>
      %dma_wait3A_21 = arith.constant 0 : i32
      %dma_wait3A_22 = tpu.memref_slice %arg9[%mul3A_11, %dma_wait3A_21] : memref<128x128xf32, #tpu.memory_space<vmem_shared>> -> memref<8x128xf32, #tpu.memory_space<vmem_shared>>
      tpu.wait_dma2 semaphore(%run_scoped3A_14 : memref<!tpu.dma_semaphore, #tpu.memory_space<semaphore_mem>>) src(%dma_wait3A_22 : memref<8x128xf32, #tpu.memory_space<vmem_shared>>) dst(%dma_wait3A_20 : memref<8x128xf32, #tpu.memory_space<hbm>>)
      tpu.yield
    }) : () -> ()
    return
  }
}

#map = affine_map<(d0, d1) -> (0, 0)>
#map1 = affine_map<(d0, d1) -> (0, 0, 0)>
module attributes {stable_mosaic.version = 14 : i64} {
  func.func @_agg_kernel(%arg0: i32, %arg1: i32, %arg2: memref<10000x128xf32, #tpu.memory_space<hbm>>, %arg3: memref<32x80x128xi32, #tpu.memory_space<hbm>>, %arg4: memref<32x80x128xi32, #tpu.memory_space<hbm>>, %arg5: memref<10240x128xf32, #tpu.memory_space<hbm>>, %arg6: memref<2x10240x128xf32, #tpu.memory_space<hbm>>, %arg7: memref<40x128xi32, #tpu.memory_space<vmem>>, %arg8: memref<40x128xi32, #tpu.memory_space<vmem>>, %arg9: memref<128x128xf32, #tpu.memory_space<vmem>>, %arg10: memref<128x128xf32, #tpu.memory_space<vmem>>, %arg11: memref<10240x128xf32, #tpu.memory_space<vmem_shared>>, %arg12: memref<!tpu.dma_semaphore, #tpu.memory_space<semaphore_mem>>, %arg13: memref<!tpu.dma_semaphore, #tpu.memory_space<semaphore_mem>>, %arg14: memref<!tpu.dma_semaphore, #tpu.memory_space<semaphore_mem>>, %arg15: memref<!tpu.dma_semaphore, #tpu.memory_space<semaphore_mem>>) attributes {dimension_semantics = [#tpu.dimension_semantics<core_parallel>, #tpu.dimension_semantics<subcore_parallel>], iteration_bounds = array<i64: 2, 16>, scalar_prefetch = 0 : i64, scratch_operands = 9 : i64, tpu.core_type = #tpu.core_type<sc_vector_subcore>, window_params = [{transform_indices = #map}, {transform_indices = #map1}, {transform_indices = #map1}, {transform_indices = #map}, {transform_indices = #map1}]} {
    %mul3A = arith.constant 16 : i32
    %mul3A_0 = arith.muli %arg0, %mul3A : i32
    %add3A = arith.addi %mul3A_0, %arg1 : i32
    %mul3A_1 = arith.constant 640 : i32
    %mul3A_2 = arith.muli %arg1, %mul3A_1 : i32
    "tpu.region"() ({
      %run_scoped3A = tpu.sem_alloc : memref<!tpu.dma_semaphore, #tpu.memory_space<semaphore_mem>>
      %dma_start3A_40 = arith.constant 0 : i32
      %dma_start3A_41 = tpu.memref_slice %arg11[%mul3A_2, %dma_start3A_40] : memref<10240x128xf32, #tpu.memory_space<vmem_shared>> -> memref<640x128xf32, #tpu.memory_space<vmem_shared>>
      %dma_start3A_42 = arith.constant 0 : i32
      %dma_start3A_43 = tpu.memref_slice %arg5[%mul3A_2, %dma_start3A_42] : memref<10240x128xf32, #tpu.memory_space<hbm>> -> memref<640x128xf32, #tpu.memory_space<hbm>>
      tpu.enqueue_dma source(%dma_start3A_43 : memref<640x128xf32, #tpu.memory_space<hbm>>) target(%dma_start3A_41 : memref<640x128xf32, #tpu.memory_space<vmem_shared>>) target_semaphore(%run_scoped3A : memref<!tpu.dma_semaphore, #tpu.memory_space<semaphore_mem>>)
      %dma_wait3A = arith.constant 0 : i32
      %dma_wait3A_44 = tpu.memref_slice %arg11[%mul3A_2, %dma_wait3A] : memref<10240x128xf32, #tpu.memory_space<vmem_shared>> -> memref<640x128xf32, #tpu.memory_space<vmem_shared>>
      %dma_wait3A_45 = arith.constant 0 : i32
      %dma_wait3A_46 = tpu.memref_slice %arg5[%mul3A_2, %dma_wait3A_45] : memref<10240x128xf32, #tpu.memory_space<hbm>> -> memref<640x128xf32, #tpu.memory_space<hbm>>
      tpu.wait_dma2 semaphore(%run_scoped3A : memref<!tpu.dma_semaphore, #tpu.memory_space<semaphore_mem>>) src(%dma_wait3A_46 : memref<640x128xf32, #tpu.memory_space<hbm>>) dst(%dma_wait3A_44 : memref<640x128xf32, #tpu.memory_space<vmem_shared>>)
      tpu.yield
    }) : () -> ()
    %barrier3A = arith.constant 0 : index
    tpu.barrier barrier_id(%barrier3A)
    "tpu.region"() ({
      %run_scoped3A = tpu.sem_alloc : memref<!tpu.dma_semaphore, #tpu.memory_space<semaphore_mem>>
      %dma_start3A_40 = arith.constant 0 : i32
      %dma_start3A_41 = arith.constant 0 : i32
      %dma_start3A_42 = tpu.memref_slice %arg3[%add3A, %dma_start3A_40, %dma_start3A_41] : memref<32x80x128xi32, #tpu.memory_space<hbm>> -> memref<1x40x128xi32, #tpu.memory_space<hbm>>
      %dma_start3A_43 = tpu.memref_squeeze %dma_start3A_42 : memref<1x40x128xi32, #tpu.memory_space<hbm>> -> memref<40x128xi32, #tpu.memory_space<hbm>>
      %dma_start3A_44 = arith.constant 0 : i32
      %dma_start3A_45 = arith.constant 0 : i32
      %dma_start3A_46 = tpu.memref_slice %arg3[%add3A, %dma_start3A_44, %dma_start3A_45] : memref<32x80x128xi32, #tpu.memory_space<hbm>> -> memref<1x40x128xi32, #tpu.memory_space<hbm>>
      %dma_start3A_47 = tpu.memref_squeeze %dma_start3A_46 : memref<1x40x128xi32, #tpu.memory_space<hbm>> -> memref<40x128xi32, #tpu.memory_space<hbm>>
      tpu.enqueue_dma source(%dma_start3A_47 : memref<40x128xi32, #tpu.memory_space<hbm>>) target(%arg7 : memref<40x128xi32, #tpu.memory_space<vmem>>) target_semaphore(%run_scoped3A : memref<!tpu.dma_semaphore, #tpu.memory_space<semaphore_mem>>)
      %dma_wait3A = arith.constant 0 : i32
      %dma_wait3A_48 = arith.constant 0 : i32
      %dma_wait3A_49 = tpu.memref_slice %arg3[%add3A, %dma_wait3A, %dma_wait3A_48] : memref<32x80x128xi32, #tpu.memory_space<hbm>> -> memref<1x40x128xi32, #tpu.memory_space<hbm>>
      %dma_wait3A_50 = tpu.memref_squeeze %dma_wait3A_49 : memref<1x40x128xi32, #tpu.memory_space<hbm>> -> memref<40x128xi32, #tpu.memory_space<hbm>>
      %dma_wait3A_51 = arith.constant 0 : i32
      %dma_wait3A_52 = arith.constant 0 : i32
      %dma_wait3A_53 = tpu.memref_slice %arg3[%add3A, %dma_wait3A_51, %dma_wait3A_52] : memref<32x80x128xi32, #tpu.memory_space<hbm>> -> memref<1x40x128xi32, #tpu.memory_space<hbm>>
      %dma_wait3A_54 = tpu.memref_squeeze %dma_wait3A_53 : memref<1x40x128xi32, #tpu.memory_space<hbm>> -> memref<40x128xi32, #tpu.memory_space<hbm>>
      tpu.wait_dma2 semaphore(%run_scoped3A : memref<!tpu.dma_semaphore, #tpu.memory_space<semaphore_mem>>) src(%dma_wait3A_54 : memref<40x128xi32, #tpu.memory_space<hbm>>) dst(%arg7 : memref<40x128xi32, #tpu.memory_space<vmem>>)
      tpu.yield
    }) : () -> ()
    "tpu.region"() ({
      %run_scoped3A = tpu.sem_alloc : memref<!tpu.dma_semaphore, #tpu.memory_space<semaphore_mem>>
      %dma_start3A_40 = arith.constant 0 : i32
      %dma_start3A_41 = arith.constant 0 : i32
      %dma_start3A_42 = tpu.memref_slice %arg4[%add3A, %dma_start3A_40, %dma_start3A_41] : memref<32x80x128xi32, #tpu.memory_space<hbm>> -> memref<1x40x128xi32, #tpu.memory_space<hbm>>
      %dma_start3A_43 = tpu.memref_squeeze %dma_start3A_42 : memref<1x40x128xi32, #tpu.memory_space<hbm>> -> memref<40x128xi32, #tpu.memory_space<hbm>>
      %dma_start3A_44 = arith.constant 0 : i32
      %dma_start3A_45 = arith.constant 0 : i32
      %dma_start3A_46 = tpu.memref_slice %arg4[%add3A, %dma_start3A_44, %dma_start3A_45] : memref<32x80x128xi32, #tpu.memory_space<hbm>> -> memref<1x40x128xi32, #tpu.memory_space<hbm>>
      %dma_start3A_47 = tpu.memref_squeeze %dma_start3A_46 : memref<1x40x128xi32, #tpu.memory_space<hbm>> -> memref<40x128xi32, #tpu.memory_space<hbm>>
      tpu.enqueue_dma source(%dma_start3A_47 : memref<40x128xi32, #tpu.memory_space<hbm>>) target(%arg8 : memref<40x128xi32, #tpu.memory_space<vmem>>) target_semaphore(%run_scoped3A : memref<!tpu.dma_semaphore, #tpu.memory_space<semaphore_mem>>)
      %dma_wait3A = arith.constant 0 : i32
      %dma_wait3A_48 = arith.constant 0 : i32
      %dma_wait3A_49 = tpu.memref_slice %arg4[%add3A, %dma_wait3A, %dma_wait3A_48] : memref<32x80x128xi32, #tpu.memory_space<hbm>> -> memref<1x40x128xi32, #tpu.memory_space<hbm>>
      %dma_wait3A_50 = tpu.memref_squeeze %dma_wait3A_49 : memref<1x40x128xi32, #tpu.memory_space<hbm>> -> memref<40x128xi32, #tpu.memory_space<hbm>>
      %dma_wait3A_51 = arith.constant 0 : i32
      %dma_wait3A_52 = arith.constant 0 : i32
      %dma_wait3A_53 = tpu.memref_slice %arg4[%add3A, %dma_wait3A_51, %dma_wait3A_52] : memref<32x80x128xi32, #tpu.memory_space<hbm>> -> memref<1x40x128xi32, #tpu.memory_space<hbm>>
      %dma_wait3A_54 = tpu.memref_squeeze %dma_wait3A_53 : memref<1x40x128xi32, #tpu.memory_space<hbm>> -> memref<40x128xi32, #tpu.memory_space<hbm>>
      tpu.wait_dma2 semaphore(%run_scoped3A : memref<!tpu.dma_semaphore, #tpu.memory_space<semaphore_mem>>) src(%dma_wait3A_54 : memref<40x128xi32, #tpu.memory_space<hbm>>) dst(%arg8 : memref<40x128xi32, #tpu.memory_space<vmem>>)
      tpu.yield
    }) : () -> ()
    %dma_start3A = arith.constant 0 : i32
    %dma_start3A_3 = arith.constant 0 : i32
    %dma_start3A_4 = tpu.memref_slice %arg7[%dma_start3A, %dma_start3A_3] : memref<40x128xi32, #tpu.memory_space<vmem>> -> memref<1x128xi32, #tpu.memory_space<vmem>>
    %dma_start3A_5 = tpu.memref_squeeze %dma_start3A_4 : memref<1x128xi32, #tpu.memory_space<vmem>> -> memref<128xi32, #tpu.memory_space<vmem>>
    %dma_start3A_6 = arith.constant 0 : i32
    %dma_start3A_7 = arith.constant 0 : i32
    %dma_start3A_8 = tpu.memref_slice %arg2[%dma_start3A_6, %dma_start3A_7] : memref<10000x128xf32, #tpu.memory_space<hbm>> -> memref<10000x128xf32, #tpu.memory_space<hbm>>
    tpu.enqueue_indirect_dma source(%dma_start3A_8 : memref<10000x128xf32, #tpu.memory_space<hbm>>) target(%arg9 : memref<128x128xf32, #tpu.memory_space<vmem>>) offsets(%dma_start3A_5 : memref<128xi32, #tpu.memory_space<vmem>>) semaphore(%arg12 : memref<!tpu.dma_semaphore, #tpu.memory_space<semaphore_mem>>)
    %dma_start3A_9 = arith.constant 1 : i32
    %dma_start3A_10 = arith.constant 0 : i32
    %dma_start3A_11 = tpu.memref_slice %arg7[%dma_start3A_9, %dma_start3A_10] : memref<40x128xi32, #tpu.memory_space<vmem>> -> memref<1x128xi32, #tpu.memory_space<vmem>>
    %dma_start3A_12 = tpu.memref_squeeze %dma_start3A_11 : memref<1x128xi32, #tpu.memory_space<vmem>> -> memref<128xi32, #tpu.memory_space<vmem>>
    %dma_start3A_13 = arith.constant 0 : i32
    %dma_start3A_14 = arith.constant 0 : i32
    %dma_start3A_15 = tpu.memref_slice %arg2[%dma_start3A_13, %dma_start3A_14] : memref<10000x128xf32, #tpu.memory_space<hbm>> -> memref<10000x128xf32, #tpu.memory_space<hbm>>
    tpu.enqueue_indirect_dma source(%dma_start3A_15 : memref<10000x128xf32, #tpu.memory_space<hbm>>) target(%arg10 : memref<128x128xf32, #tpu.memory_space<vmem>>) offsets(%dma_start3A_12 : memref<128xi32, #tpu.memory_space<vmem>>) semaphore(%arg13 : memref<!tpu.dma_semaphore, #tpu.memory_space<semaphore_mem>>)
    %scan3A = arith.constant 0 : i32
    %scan3A_16 = arith.constant 20 : i32
    %scan3A_17 = arith.addi %scan3A, %scan3A_16 : i32
    %scan3A_18 = arith.constant 1 : i32
    scf.for %scan3A_40 = %scan3A to %scan3A_17 step %scan3A_18  : i32 {
      %mul3A_41 = arith.constant 2 : i32
      %mul3A_42 = arith.muli %scan3A_40, %mul3A_41 : i32
      %add3A_43 = arith.constant 0 : i32
      %add3A_44 = arith.addi %add3A_43, %mul3A_42 : i32
      %dma_wait3A = arith.constant 0 : i32
      %dma_wait3A_45 = tpu.memref_slice %arg7[%add3A_44, %dma_wait3A] : memref<40x128xi32, #tpu.memory_space<vmem>> -> memref<1x128xi32, #tpu.memory_space<vmem>>
      %dma_wait3A_46 = tpu.memref_squeeze %dma_wait3A_45 : memref<1x128xi32, #tpu.memory_space<vmem>> -> memref<128xi32, #tpu.memory_space<vmem>>
      %dma_wait3A_47 = arith.constant 0 : i32
      %dma_wait3A_48 = arith.constant 0 : i32
      %dma_wait3A_49 = tpu.memref_slice %arg2[%dma_wait3A_47, %dma_wait3A_48] : memref<10000x128xf32, #tpu.memory_space<hbm>> -> memref<10000x128xf32, #tpu.memory_space<hbm>>
      tpu.wait_indirect_dma semaphore(%arg12 : memref<!tpu.dma_semaphore, #tpu.memory_space<semaphore_mem>>) src(%dma_wait3A_49 : memref<10000x128xf32, #tpu.memory_space<hbm>>) dst(%arg9 : memref<128x128xf32, #tpu.memory_space<vmem>>)
      "tpu.region"() ({
        %run_scoped3A = tpu.sem_alloc : memref<!tpu.dma_semaphore, #tpu.memory_space<semaphore_mem>>
        %dma_start3A_71 = arith.constant 0 : i32
        %dma_start3A_72 = tpu.memref_slice %arg8[%add3A_44, %dma_start3A_71] : memref<40x128xi32, #tpu.memory_space<vmem>> -> memref<1x128xi32, #tpu.memory_space<vmem>>
        %dma_start3A_73 = tpu.memref_squeeze %dma_start3A_72 : memref<1x128xi32, #tpu.memory_space<vmem>> -> memref<128xi32, #tpu.memory_space<vmem>>
        %dma_start3A_74 = arith.constant 0 : i32
        %dma_start3A_75 = arith.constant 0 : i32
        %dma_start3A_76 = tpu.memref_slice %arg11[%dma_start3A_74, %dma_start3A_75] : memref<10240x128xf32, #tpu.memory_space<vmem_shared>> -> memref<10240x128xf32, #tpu.memory_space<vmem_shared>>
        tpu.enqueue_indirect_dma source(%arg9 : memref<128x128xf32, #tpu.memory_space<vmem>>) target(%dma_start3A_76 : memref<10240x128xf32, #tpu.memory_space<vmem_shared>>) offsets(%dma_start3A_73 : memref<128xi32, #tpu.memory_space<vmem>>) semaphore(%run_scoped3A : memref<!tpu.dma_semaphore, #tpu.memory_space<semaphore_mem>>) {add = true}
        %dma_wait3A_77 = arith.constant 0 : i32
        %dma_wait3A_78 = tpu.memref_slice %arg8[%add3A_44, %dma_wait3A_77] : memref<40x128xi32, #tpu.memory_space<vmem>> -> memref<1x128xi32, #tpu.memory_space<vmem>>
        %dma_wait3A_79 = tpu.memref_squeeze %dma_wait3A_78 : memref<1x128xi32, #tpu.memory_space<vmem>> -> memref<128xi32, #tpu.memory_space<vmem>>
        %dma_wait3A_80 = arith.constant 0 : i32
        %dma_wait3A_81 = arith.constant 0 : i32
        %dma_wait3A_82 = tpu.memref_slice %arg11[%dma_wait3A_80, %dma_wait3A_81] : memref<10240x128xf32, #tpu.memory_space<vmem_shared>> -> memref<10240x128xf32, #tpu.memory_space<vmem_shared>>
        tpu.wait_indirect_dma semaphore(%run_scoped3A : memref<!tpu.dma_semaphore, #tpu.memory_space<semaphore_mem>>) src(%arg9 : memref<128x128xf32, #tpu.memory_space<vmem>>) dst(%dma_wait3A_82 : memref<10240x128xf32, #tpu.memory_space<vmem_shared>>)
        tpu.yield
      }) : () -> ()
      %add3A_50 = arith.constant 2 : i32
      %add3A_51 = arith.addi %add3A_44, %add3A_50 : i32
      %lt3A = arith.constant 40 : i32
      %lt3A_52 = arith.cmpi slt, %add3A_51, %lt3A : i32
      %convert_element_type3A = arith.extui %lt3A_52 : i1 to i32
      %cond3A = arith.constant 0 : i32
      %cond3A_53 = arith.cmpi ne, %convert_element_type3A, %cond3A : i32
      scf.if %cond3A_53 {
        %add3A_71 = arith.constant 2 : i32
        %add3A_72 = arith.addi %add3A_44, %add3A_71 : i32
        %dma_start3A_73 = arith.constant 0 : i32
        %dma_start3A_74 = tpu.memref_slice %arg7[%add3A_72, %dma_start3A_73] : memref<40x128xi32, #tpu.memory_space<vmem>> -> memref<1x128xi32, #tpu.memory_space<vmem>>
        %dma_start3A_75 = tpu.memref_squeeze %dma_start3A_74 : memref<1x128xi32, #tpu.memory_space<vmem>> -> memref<128xi32, #tpu.memory_space<vmem>>
        %dma_start3A_76 = arith.constant 0 : i32
        %dma_start3A_77 = arith.constant 0 : i32
        %dma_start3A_78 = tpu.memref_slice %arg2[%dma_start3A_76, %dma_start3A_77] : memref<10000x128xf32, #tpu.memory_space<hbm>> -> memref<10000x128xf32, #tpu.memory_space<hbm>>
        tpu.enqueue_indirect_dma source(%dma_start3A_78 : memref<10000x128xf32, #tpu.memory_space<hbm>>) target(%arg9 : memref<128x128xf32, #tpu.memory_space<vmem>>) offsets(%dma_start3A_75 : memref<128xi32, #tpu.memory_space<vmem>>) semaphore(%arg12 : memref<!tpu.dma_semaphore, #tpu.memory_space<semaphore_mem>>)
      } else {
      }
      %add3A_54 = arith.constant 1 : i32
      %add3A_55 = arith.addi %add3A_44, %add3A_54 : i32
      %dma_wait3A_56 = arith.constant 0 : i32
      %dma_wait3A_57 = tpu.memref_slice %arg7[%add3A_55, %dma_wait3A_56] : memref<40x128xi32, #tpu.memory_space<vmem>> -> memref<1x128xi32, #tpu.memory_space<vmem>>
      %dma_wait3A_58 = tpu.memref_squeeze %dma_wait3A_57 : memref<1x128xi32, #tpu.memory_space<vmem>> -> memref<128xi32, #tpu.memory_space<vmem>>
      %dma_wait3A_59 = arith.constant 0 : i32
      %dma_wait3A_60 = arith.constant 0 : i32
      %dma_wait3A_61 = tpu.memref_slice %arg2[%dma_wait3A_59, %dma_wait3A_60] : memref<10000x128xf32, #tpu.memory_space<hbm>> -> memref<10000x128xf32, #tpu.memory_space<hbm>>
      tpu.wait_indirect_dma semaphore(%arg13 : memref<!tpu.dma_semaphore, #tpu.memory_space<semaphore_mem>>) src(%dma_wait3A_61 : memref<10000x128xf32, #tpu.memory_space<hbm>>) dst(%arg10 : memref<128x128xf32, #tpu.memory_space<vmem>>)
      %add3A_62 = arith.constant 1 : i32
      %add3A_63 = arith.addi %add3A_44, %add3A_62 : i32
      "tpu.region"() ({
        %run_scoped3A = tpu.sem_alloc : memref<!tpu.dma_semaphore, #tpu.memory_space<semaphore_mem>>
        %dma_start3A_71 = arith.constant 0 : i32
        %dma_start3A_72 = tpu.memref_slice %arg8[%add3A_63, %dma_start3A_71] : memref<40x128xi32, #tpu.memory_space<vmem>> -> memref<1x128xi32, #tpu.memory_space<vmem>>
        %dma_start3A_73 = tpu.memref_squeeze %dma_start3A_72 : memref<1x128xi32, #tpu.memory_space<vmem>> -> memref<128xi32, #tpu.memory_space<vmem>>
        %dma_start3A_74 = arith.constant 0 : i32
        %dma_start3A_75 = arith.constant 0 : i32
        %dma_start3A_76 = tpu.memref_slice %arg11[%dma_start3A_74, %dma_start3A_75] : memref<10240x128xf32, #tpu.memory_space<vmem_shared>> -> memref<10240x128xf32, #tpu.memory_space<vmem_shared>>
        tpu.enqueue_indirect_dma source(%arg10 : memref<128x128xf32, #tpu.memory_space<vmem>>) target(%dma_start3A_76 : memref<10240x128xf32, #tpu.memory_space<vmem_shared>>) offsets(%dma_start3A_73 : memref<128xi32, #tpu.memory_space<vmem>>) semaphore(%run_scoped3A : memref<!tpu.dma_semaphore, #tpu.memory_space<semaphore_mem>>) {add = true}
        %dma_wait3A_77 = arith.constant 0 : i32
        %dma_wait3A_78 = tpu.memref_slice %arg8[%add3A_63, %dma_wait3A_77] : memref<40x128xi32, #tpu.memory_space<vmem>> -> memref<1x128xi32, #tpu.memory_space<vmem>>
        %dma_wait3A_79 = tpu.memref_squeeze %dma_wait3A_78 : memref<1x128xi32, #tpu.memory_space<vmem>> -> memref<128xi32, #tpu.memory_space<vmem>>
        %dma_wait3A_80 = arith.constant 0 : i32
        %dma_wait3A_81 = arith.constant 0 : i32
        %dma_wait3A_82 = tpu.memref_slice %arg11[%dma_wait3A_80, %dma_wait3A_81] : memref<10240x128xf32, #tpu.memory_space<vmem_shared>> -> memref<10240x128xf32, #tpu.memory_space<vmem_shared>>
        tpu.wait_indirect_dma semaphore(%run_scoped3A : memref<!tpu.dma_semaphore, #tpu.memory_space<semaphore_mem>>) src(%arg10 : memref<128x128xf32, #tpu.memory_space<vmem>>) dst(%dma_wait3A_82 : memref<10240x128xf32, #tpu.memory_space<vmem_shared>>)
        tpu.yield
      }) : () -> ()
      %add3A_64 = arith.constant 3 : i32
      %add3A_65 = arith.addi %add3A_44, %add3A_64 : i32
      %lt3A_66 = arith.constant 40 : i32
      %lt3A_67 = arith.cmpi slt, %add3A_65, %lt3A_66 : i32
      %convert_element_type3A_68 = arith.extui %lt3A_67 : i1 to i32
      %cond3A_69 = arith.constant 0 : i32
      %cond3A_70 = arith.cmpi ne, %convert_element_type3A_68, %cond3A_69 : i32
      scf.if %cond3A_70 {
        %add3A_71 = arith.constant 3 : i32
        %add3A_72 = arith.addi %add3A_44, %add3A_71 : i32
        %dma_start3A_73 = arith.constant 0 : i32
        %dma_start3A_74 = tpu.memref_slice %arg7[%add3A_72, %dma_start3A_73] : memref<40x128xi32, #tpu.memory_space<vmem>> -> memref<1x128xi32, #tpu.memory_space<vmem>>
        %dma_start3A_75 = tpu.memref_squeeze %dma_start3A_74 : memref<1x128xi32, #tpu.memory_space<vmem>> -> memref<128xi32, #tpu.memory_space<vmem>>
        %dma_start3A_76 = arith.constant 0 : i32
        %dma_start3A_77 = arith.constant 0 : i32
        %dma_start3A_78 = tpu.memref_slice %arg2[%dma_start3A_76, %dma_start3A_77] : memref<10000x128xf32, #tpu.memory_space<hbm>> -> memref<10000x128xf32, #tpu.memory_space<hbm>>
        tpu.enqueue_indirect_dma source(%dma_start3A_78 : memref<10000x128xf32, #tpu.memory_space<hbm>>) target(%arg10 : memref<128x128xf32, #tpu.memory_space<vmem>>) offsets(%dma_start3A_75 : memref<128xi32, #tpu.memory_space<vmem>>) semaphore(%arg13 : memref<!tpu.dma_semaphore, #tpu.memory_space<semaphore_mem>>)
      } else {
      }
    }
    %scan3A_19 = arith.constant 20 : i32
    "tpu.region"() ({
      %run_scoped3A = tpu.sem_alloc : memref<!tpu.dma_semaphore, #tpu.memory_space<semaphore_mem>>
      %dma_start3A_40 = arith.constant 40 : i32
      %dma_start3A_41 = arith.constant 0 : i32
      %dma_start3A_42 = tpu.memref_slice %arg3[%add3A, %dma_start3A_40, %dma_start3A_41] : memref<32x80x128xi32, #tpu.memory_space<hbm>> -> memref<1x40x128xi32, #tpu.memory_space<hbm>>
      %dma_start3A_43 = tpu.memref_squeeze %dma_start3A_42 : memref<1x40x128xi32, #tpu.memory_space<hbm>> -> memref<40x128xi32, #tpu.memory_space<hbm>>
      %dma_start3A_44 = arith.constant 40 : i32
      %dma_start3A_45 = arith.constant 0 : i32
      %dma_start3A_46 = tpu.memref_slice %arg3[%add3A, %dma_start3A_44, %dma_start3A_45] : memref<32x80x128xi32, #tpu.memory_space<hbm>> -> memref<1x40x128xi32, #tpu.memory_space<hbm>>
      %dma_start3A_47 = tpu.memref_squeeze %dma_start3A_46 : memref<1x40x128xi32, #tpu.memory_space<hbm>> -> memref<40x128xi32, #tpu.memory_space<hbm>>
      tpu.enqueue_dma source(%dma_start3A_47 : memref<40x128xi32, #tpu.memory_space<hbm>>) target(%arg7 : memref<40x128xi32, #tpu.memory_space<vmem>>) target_semaphore(%run_scoped3A : memref<!tpu.dma_semaphore, #tpu.memory_space<semaphore_mem>>)
      %dma_wait3A = arith.constant 40 : i32
      %dma_wait3A_48 = arith.constant 0 : i32
      %dma_wait3A_49 = tpu.memref_slice %arg3[%add3A, %dma_wait3A, %dma_wait3A_48] : memref<32x80x128xi32, #tpu.memory_space<hbm>> -> memref<1x40x128xi32, #tpu.memory_space<hbm>>
      %dma_wait3A_50 = tpu.memref_squeeze %dma_wait3A_49 : memref<1x40x128xi32, #tpu.memory_space<hbm>> -> memref<40x128xi32, #tpu.memory_space<hbm>>
      %dma_wait3A_51 = arith.constant 40 : i32
      %dma_wait3A_52 = arith.constant 0 : i32
      %dma_wait3A_53 = tpu.memref_slice %arg3[%add3A, %dma_wait3A_51, %dma_wait3A_52] : memref<32x80x128xi32, #tpu.memory_space<hbm>> -> memref<1x40x128xi32, #tpu.memory_space<hbm>>
      %dma_wait3A_54 = tpu.memref_squeeze %dma_wait3A_53 : memref<1x40x128xi32, #tpu.memory_space<hbm>> -> memref<40x128xi32, #tpu.memory_space<hbm>>
      tpu.wait_dma2 semaphore(%run_scoped3A : memref<!tpu.dma_semaphore, #tpu.memory_space<semaphore_mem>>) src(%dma_wait3A_54 : memref<40x128xi32, #tpu.memory_space<hbm>>) dst(%arg7 : memref<40x128xi32, #tpu.memory_space<vmem>>)
      tpu.yield
    }) : () -> ()
    "tpu.region"() ({
      %run_scoped3A = tpu.sem_alloc : memref<!tpu.dma_semaphore, #tpu.memory_space<semaphore_mem>>
      %dma_start3A_40 = arith.constant 40 : i32
      %dma_start3A_41 = arith.constant 0 : i32
      %dma_start3A_42 = tpu.memref_slice %arg4[%add3A, %dma_start3A_40, %dma_start3A_41] : memref<32x80x128xi32, #tpu.memory_space<hbm>> -> memref<1x40x128xi32, #tpu.memory_space<hbm>>
      %dma_start3A_43 = tpu.memref_squeeze %dma_start3A_42 : memref<1x40x128xi32, #tpu.memory_space<hbm>> -> memref<40x128xi32, #tpu.memory_space<hbm>>
      %dma_start3A_44 = arith.constant 40 : i32
      %dma_start3A_45 = arith.constant 0 : i32
      %dma_start3A_46 = tpu.memref_slice %arg4[%add3A, %dma_start3A_44, %dma_start3A_45] : memref<32x80x128xi32, #tpu.memory_space<hbm>> -> memref<1x40x128xi32, #tpu.memory_space<hbm>>
      %dma_start3A_47 = tpu.memref_squeeze %dma_start3A_46 : memref<1x40x128xi32, #tpu.memory_space<hbm>> -> memref<40x128xi32, #tpu.memory_space<hbm>>
      tpu.enqueue_dma source(%dma_start3A_47 : memref<40x128xi32, #tpu.memory_space<hbm>>) target(%arg8 : memref<40x128xi32, #tpu.memory_space<vmem>>) target_semaphore(%run_scoped3A : memref<!tpu.dma_semaphore, #tpu.memory_space<semaphore_mem>>)
      %dma_wait3A = arith.constant 40 : i32
      %dma_wait3A_48 = arith.constant 0 : i32
      %dma_wait3A_49 = tpu.memref_slice %arg4[%add3A, %dma_wait3A, %dma_wait3A_48] : memref<32x80x128xi32, #tpu.memory_space<hbm>> -> memref<1x40x128xi32, #tpu.memory_space<hbm>>
      %dma_wait3A_50 = tpu.memref_squeeze %dma_wait3A_49 : memref<1x40x128xi32, #tpu.memory_space<hbm>> -> memref<40x128xi32, #tpu.memory_space<hbm>>
      %dma_wait3A_51 = arith.constant 40 : i32
      %dma_wait3A_52 = arith.constant 0 : i32
      %dma_wait3A_53 = tpu.memref_slice %arg4[%add3A, %dma_wait3A_51, %dma_wait3A_52] : memref<32x80x128xi32, #tpu.memory_space<hbm>> -> memref<1x40x128xi32, #tpu.memory_space<hbm>>
      %dma_wait3A_54 = tpu.memref_squeeze %dma_wait3A_53 : memref<1x40x128xi32, #tpu.memory_space<hbm>> -> memref<40x128xi32, #tpu.memory_space<hbm>>
      tpu.wait_dma2 semaphore(%run_scoped3A : memref<!tpu.dma_semaphore, #tpu.memory_space<semaphore_mem>>) src(%dma_wait3A_54 : memref<40x128xi32, #tpu.memory_space<hbm>>) dst(%arg8 : memref<40x128xi32, #tpu.memory_space<vmem>>)
      tpu.yield
    }) : () -> ()
    %dma_start3A_20 = arith.constant 0 : i32
    %dma_start3A_21 = arith.constant 0 : i32
    %dma_start3A_22 = tpu.memref_slice %arg7[%dma_start3A_20, %dma_start3A_21] : memref<40x128xi32, #tpu.memory_space<vmem>> -> memref<1x128xi32, #tpu.memory_space<vmem>>
    %dma_start3A_23 = tpu.memref_squeeze %dma_start3A_22 : memref<1x128xi32, #tpu.memory_space<vmem>> -> memref<128xi32, #tpu.memory_space<vmem>>
    %dma_start3A_24 = arith.constant 0 : i32
    %dma_start3A_25 = arith.constant 0 : i32
    %dma_start3A_26 = tpu.memref_slice %arg2[%dma_start3A_24, %dma_start3A_25] : memref<10000x128xf32, #tpu.memory_space<hbm>> -> memref<10000x128xf32, #tpu.memory_space<hbm>>
    tpu.enqueue_indirect_dma source(%dma_start3A_26 : memref<10000x128xf32, #tpu.memory_space<hbm>>) target(%arg9 : memref<128x128xf32, #tpu.memory_space<vmem>>) offsets(%dma_start3A_23 : memref<128xi32, #tpu.memory_space<vmem>>) semaphore(%arg12 : memref<!tpu.dma_semaphore, #tpu.memory_space<semaphore_mem>>)
    %dma_start3A_27 = arith.constant 1 : i32
    %dma_start3A_28 = arith.constant 0 : i32
    %dma_start3A_29 = tpu.memref_slice %arg7[%dma_start3A_27, %dma_start3A_28] : memref<40x128xi32, #tpu.memory_space<vmem>> -> memref<1x128xi32, #tpu.memory_space<vmem>>
    %dma_start3A_30 = tpu.memref_squeeze %dma_start3A_29 : memref<1x128xi32, #tpu.memory_space<vmem>> -> memref<128xi32, #tpu.memory_space<vmem>>
    %dma_start3A_31 = arith.constant 0 : i32
    %dma_start3A_32 = arith.constant 0 : i32
    %dma_start3A_33 = tpu.memref_slice %arg2[%dma_start3A_31, %dma_start3A_32] : memref<10000x128xf32, #tpu.memory_space<hbm>> -> memref<10000x128xf32, #tpu.memory_space<hbm>>
    tpu.enqueue_indirect_dma source(%dma_start3A_33 : memref<10000x128xf32, #tpu.memory_space<hbm>>) target(%arg10 : memref<128x128xf32, #tpu.memory_space<vmem>>) offsets(%dma_start3A_30 : memref<128xi32, #tpu.memory_space<vmem>>) semaphore(%arg13 : memref<!tpu.dma_semaphore, #tpu.memory_space<semaphore_mem>>)
    %scan3A_34 = arith.constant 0 : i32
    %scan3A_35 = arith.constant 20 : i32
    %scan3A_36 = arith.addi %scan3A_34, %scan3A_35 : i32
    %scan3A_37 = arith.constant 1 : i32
    scf.for %scan3A_40 = %scan3A_34 to %scan3A_36 step %scan3A_37  : i32 {
      %mul3A_41 = arith.constant 2 : i32
      %mul3A_42 = arith.muli %scan3A_40, %mul3A_41 : i32
      %add3A_43 = arith.constant 0 : i32
      %add3A_44 = arith.addi %add3A_43, %mul3A_42 : i32
      %dma_wait3A = arith.constant 0 : i32
      %dma_wait3A_45 = tpu.memref_slice %arg7[%add3A_44, %dma_wait3A] : memref<40x128xi32, #tpu.memory_space<vmem>> -> memref<1x128xi32, #tpu.memory_space<vmem>>
      %dma_wait3A_46 = tpu.memref_squeeze %dma_wait3A_45 : memref<1x128xi32, #tpu.memory_space<vmem>> -> memref<128xi32, #tpu.memory_space<vmem>>
      %dma_wait3A_47 = arith.constant 0 : i32
      %dma_wait3A_48 = arith.constant 0 : i32
      %dma_wait3A_49 = tpu.memref_slice %arg2[%dma_wait3A_47, %dma_wait3A_48] : memref<10000x128xf32, #tpu.memory_space<hbm>> -> memref<10000x128xf32, #tpu.memory_space<hbm>>
      tpu.wait_indirect_dma semaphore(%arg12 : memref<!tpu.dma_semaphore, #tpu.memory_space<semaphore_mem>>) src(%dma_wait3A_49 : memref<10000x128xf32, #tpu.memory_space<hbm>>) dst(%arg9 : memref<128x128xf32, #tpu.memory_space<vmem>>)
      "tpu.region"() ({
        %run_scoped3A = tpu.sem_alloc : memref<!tpu.dma_semaphore, #tpu.memory_space<semaphore_mem>>
        %dma_start3A_71 = arith.constant 0 : i32
        %dma_start3A_72 = tpu.memref_slice %arg8[%add3A_44, %dma_start3A_71] : memref<40x128xi32, #tpu.memory_space<vmem>> -> memref<1x128xi32, #tpu.memory_space<vmem>>
        %dma_start3A_73 = tpu.memref_squeeze %dma_start3A_72 : memref<1x128xi32, #tpu.memory_space<vmem>> -> memref<128xi32, #tpu.memory_space<vmem>>
        %dma_start3A_74 = arith.constant 0 : i32
        %dma_start3A_75 = arith.constant 0 : i32
        %dma_start3A_76 = tpu.memref_slice %arg11[%dma_start3A_74, %dma_start3A_75] : memref<10240x128xf32, #tpu.memory_space<vmem_shared>> -> memref<10240x128xf32, #tpu.memory_space<vmem_shared>>
        tpu.enqueue_indirect_dma source(%arg9 : memref<128x128xf32, #tpu.memory_space<vmem>>) target(%dma_start3A_76 : memref<10240x128xf32, #tpu.memory_space<vmem_shared>>) offsets(%dma_start3A_73 : memref<128xi32, #tpu.memory_space<vmem>>) semaphore(%run_scoped3A : memref<!tpu.dma_semaphore, #tpu.memory_space<semaphore_mem>>) {add = true}
        %dma_wait3A_77 = arith.constant 0 : i32
        %dma_wait3A_78 = tpu.memref_slice %arg8[%add3A_44, %dma_wait3A_77] : memref<40x128xi32, #tpu.memory_space<vmem>> -> memref<1x128xi32, #tpu.memory_space<vmem>>
        %dma_wait3A_79 = tpu.memref_squeeze %dma_wait3A_78 : memref<1x128xi32, #tpu.memory_space<vmem>> -> memref<128xi32, #tpu.memory_space<vmem>>
        %dma_wait3A_80 = arith.constant 0 : i32
        %dma_wait3A_81 = arith.constant 0 : i32
        %dma_wait3A_82 = tpu.memref_slice %arg11[%dma_wait3A_80, %dma_wait3A_81] : memref<10240x128xf32, #tpu.memory_space<vmem_shared>> -> memref<10240x128xf32, #tpu.memory_space<vmem_shared>>
        tpu.wait_indirect_dma semaphore(%run_scoped3A : memref<!tpu.dma_semaphore, #tpu.memory_space<semaphore_mem>>) src(%arg9 : memref<128x128xf32, #tpu.memory_space<vmem>>) dst(%dma_wait3A_82 : memref<10240x128xf32, #tpu.memory_space<vmem_shared>>)
        tpu.yield
      }) : () -> ()
      %add3A_50 = arith.constant 2 : i32
      %add3A_51 = arith.addi %add3A_44, %add3A_50 : i32
      %lt3A = arith.constant 40 : i32
      %lt3A_52 = arith.cmpi slt, %add3A_51, %lt3A : i32
      %convert_element_type3A = arith.extui %lt3A_52 : i1 to i32
      %cond3A = arith.constant 0 : i32
      %cond3A_53 = arith.cmpi ne, %convert_element_type3A, %cond3A : i32
      scf.if %cond3A_53 {
        %add3A_71 = arith.constant 2 : i32
        %add3A_72 = arith.addi %add3A_44, %add3A_71 : i32
        %dma_start3A_73 = arith.constant 0 : i32
        %dma_start3A_74 = tpu.memref_slice %arg7[%add3A_72, %dma_start3A_73] : memref<40x128xi32, #tpu.memory_space<vmem>> -> memref<1x128xi32, #tpu.memory_space<vmem>>
        %dma_start3A_75 = tpu.memref_squeeze %dma_start3A_74 : memref<1x128xi32, #tpu.memory_space<vmem>> -> memref<128xi32, #tpu.memory_space<vmem>>
        %dma_start3A_76 = arith.constant 0 : i32
        %dma_start3A_77 = arith.constant 0 : i32
        %dma_start3A_78 = tpu.memref_slice %arg2[%dma_start3A_76, %dma_start3A_77] : memref<10000x128xf32, #tpu.memory_space<hbm>> -> memref<10000x128xf32, #tpu.memory_space<hbm>>
        tpu.enqueue_indirect_dma source(%dma_start3A_78 : memref<10000x128xf32, #tpu.memory_space<hbm>>) target(%arg9 : memref<128x128xf32, #tpu.memory_space<vmem>>) offsets(%dma_start3A_75 : memref<128xi32, #tpu.memory_space<vmem>>) semaphore(%arg12 : memref<!tpu.dma_semaphore, #tpu.memory_space<semaphore_mem>>)
      } else {
      }
      %add3A_54 = arith.constant 1 : i32
      %add3A_55 = arith.addi %add3A_44, %add3A_54 : i32
      %dma_wait3A_56 = arith.constant 0 : i32
      %dma_wait3A_57 = tpu.memref_slice %arg7[%add3A_55, %dma_wait3A_56] : memref<40x128xi32, #tpu.memory_space<vmem>> -> memref<1x128xi32, #tpu.memory_space<vmem>>
      %dma_wait3A_58 = tpu.memref_squeeze %dma_wait3A_57 : memref<1x128xi32, #tpu.memory_space<vmem>> -> memref<128xi32, #tpu.memory_space<vmem>>
      %dma_wait3A_59 = arith.constant 0 : i32
      %dma_wait3A_60 = arith.constant 0 : i32
      %dma_wait3A_61 = tpu.memref_slice %arg2[%dma_wait3A_59, %dma_wait3A_60] : memref<10000x128xf32, #tpu.memory_space<hbm>> -> memref<10000x128xf32, #tpu.memory_space<hbm>>
      tpu.wait_indirect_dma semaphore(%arg13 : memref<!tpu.dma_semaphore, #tpu.memory_space<semaphore_mem>>) src(%dma_wait3A_61 : memref<10000x128xf32, #tpu.memory_space<hbm>>) dst(%arg10 : memref<128x128xf32, #tpu.memory_space<vmem>>)
      %add3A_62 = arith.constant 1 : i32
      %add3A_63 = arith.addi %add3A_44, %add3A_62 : i32
      "tpu.region"() ({
        %run_scoped3A = tpu.sem_alloc : memref<!tpu.dma_semaphore, #tpu.memory_space<semaphore_mem>>
        %dma_start3A_71 = arith.constant 0 : i32
        %dma_start3A_72 = tpu.memref_slice %arg8[%add3A_63, %dma_start3A_71] : memref<40x128xi32, #tpu.memory_space<vmem>> -> memref<1x128xi32, #tpu.memory_space<vmem>>
        %dma_start3A_73 = tpu.memref_squeeze %dma_start3A_72 : memref<1x128xi32, #tpu.memory_space<vmem>> -> memref<128xi32, #tpu.memory_space<vmem>>
        %dma_start3A_74 = arith.constant 0 : i32
        %dma_start3A_75 = arith.constant 0 : i32
        %dma_start3A_76 = tpu.memref_slice %arg11[%dma_start3A_74, %dma_start3A_75] : memref<10240x128xf32, #tpu.memory_space<vmem_shared>> -> memref<10240x128xf32, #tpu.memory_space<vmem_shared>>
        tpu.enqueue_indirect_dma source(%arg10 : memref<128x128xf32, #tpu.memory_space<vmem>>) target(%dma_start3A_76 : memref<10240x128xf32, #tpu.memory_space<vmem_shared>>) offsets(%dma_start3A_73 : memref<128xi32, #tpu.memory_space<vmem>>) semaphore(%run_scoped3A : memref<!tpu.dma_semaphore, #tpu.memory_space<semaphore_mem>>) {add = true}
        %dma_wait3A_77 = arith.constant 0 : i32
        %dma_wait3A_78 = tpu.memref_slice %arg8[%add3A_63, %dma_wait3A_77] : memref<40x128xi32, #tpu.memory_space<vmem>> -> memref<1x128xi32, #tpu.memory_space<vmem>>
        %dma_wait3A_79 = tpu.memref_squeeze %dma_wait3A_78 : memref<1x128xi32, #tpu.memory_space<vmem>> -> memref<128xi32, #tpu.memory_space<vmem>>
        %dma_wait3A_80 = arith.constant 0 : i32
        %dma_wait3A_81 = arith.constant 0 : i32
        %dma_wait3A_82 = tpu.memref_slice %arg11[%dma_wait3A_80, %dma_wait3A_81] : memref<10240x128xf32, #tpu.memory_space<vmem_shared>> -> memref<10240x128xf32, #tpu.memory_space<vmem_shared>>
        tpu.wait_indirect_dma semaphore(%run_scoped3A : memref<!tpu.dma_semaphore, #tpu.memory_space<semaphore_mem>>) src(%arg10 : memref<128x128xf32, #tpu.memory_space<vmem>>) dst(%dma_wait3A_82 : memref<10240x128xf32, #tpu.memory_space<vmem_shared>>)
        tpu.yield
      }) : () -> ()
      %add3A_64 = arith.constant 3 : i32
      %add3A_65 = arith.addi %add3A_44, %add3A_64 : i32
      %lt3A_66 = arith.constant 40 : i32
      %lt3A_67 = arith.cmpi slt, %add3A_65, %lt3A_66 : i32
      %convert_element_type3A_68 = arith.extui %lt3A_67 : i1 to i32
      %cond3A_69 = arith.constant 0 : i32
      %cond3A_70 = arith.cmpi ne, %convert_element_type3A_68, %cond3A_69 : i32
      scf.if %cond3A_70 {
        %add3A_71 = arith.constant 3 : i32
        %add3A_72 = arith.addi %add3A_44, %add3A_71 : i32
        %dma_start3A_73 = arith.constant 0 : i32
        %dma_start3A_74 = tpu.memref_slice %arg7[%add3A_72, %dma_start3A_73] : memref<40x128xi32, #tpu.memory_space<vmem>> -> memref<1x128xi32, #tpu.memory_space<vmem>>
        %dma_start3A_75 = tpu.memref_squeeze %dma_start3A_74 : memref<1x128xi32, #tpu.memory_space<vmem>> -> memref<128xi32, #tpu.memory_space<vmem>>
        %dma_start3A_76 = arith.constant 0 : i32
        %dma_start3A_77 = arith.constant 0 : i32
        %dma_start3A_78 = tpu.memref_slice %arg2[%dma_start3A_76, %dma_start3A_77] : memref<10000x128xf32, #tpu.memory_space<hbm>> -> memref<10000x128xf32, #tpu.memory_space<hbm>>
        tpu.enqueue_indirect_dma source(%dma_start3A_78 : memref<10000x128xf32, #tpu.memory_space<hbm>>) target(%arg10 : memref<128x128xf32, #tpu.memory_space<vmem>>) offsets(%dma_start3A_75 : memref<128xi32, #tpu.memory_space<vmem>>) semaphore(%arg13 : memref<!tpu.dma_semaphore, #tpu.memory_space<semaphore_mem>>)
      } else {
      }
    }
    %scan3A_38 = arith.constant 20 : i32
    %barrier3A_39 = arith.constant 0 : index
    tpu.barrier barrier_id(%barrier3A_39)
    "tpu.region"() ({
      %run_scoped3A = tpu.sem_alloc : memref<!tpu.dma_semaphore, #tpu.memory_space<semaphore_mem>>
      %dma_start3A_40 = arith.constant 0 : i32
      %dma_start3A_41 = tpu.memref_slice %arg6[%arg0, %mul3A_2, %dma_start3A_40] : memref<2x10240x128xf32, #tpu.memory_space<hbm>> -> memref<1x640x128xf32, #tpu.memory_space<hbm>>
      %dma_start3A_42 = tpu.memref_squeeze %dma_start3A_41 : memref<1x640x128xf32, #tpu.memory_space<hbm>> -> memref<640x128xf32, #tpu.memory_space<hbm>>
      %dma_start3A_43 = arith.constant 0 : i32
      %dma_start3A_44 = tpu.memref_slice %arg11[%mul3A_2, %dma_start3A_43] : memref<10240x128xf32, #tpu.memory_space<vmem_shared>> -> memref<640x128xf32, #tpu.memory_space<vmem_shared>>
      tpu.enqueue_dma source(%dma_start3A_44 : memref<640x128xf32, #tpu.memory_space<vmem_shared>>) target(%dma_start3A_42 : memref<640x128xf32, #tpu.memory_space<hbm>>) target_semaphore(%run_scoped3A : memref<!tpu.dma_semaphore, #tpu.memory_space<semaphore_mem>>)
      %dma_wait3A = arith.constant 0 : i32
      %dma_wait3A_45 = tpu.memref_slice %arg6[%arg0, %mul3A_2, %dma_wait3A] : memref<2x10240x128xf32, #tpu.memory_space<hbm>> -> memref<1x640x128xf32, #tpu.memory_space<hbm>>
      %dma_wait3A_46 = tpu.memref_squeeze %dma_wait3A_45 : memref<1x640x128xf32, #tpu.memory_space<hbm>> -> memref<640x128xf32, #tpu.memory_space<hbm>>
      %dma_wait3A_47 = arith.constant 0 : i32
      %dma_wait3A_48 = tpu.memref_slice %arg11[%mul3A_2, %dma_wait3A_47] : memref<10240x128xf32, #tpu.memory_space<vmem_shared>> -> memref<640x128xf32, #tpu.memory_space<vmem_shared>>
      tpu.wait_dma2 semaphore(%run_scoped3A : memref<!tpu.dma_semaphore, #tpu.memory_space<semaphore_mem>>) src(%dma_wait3A_48 : memref<640x128xf32, #tpu.memory_space<vmem_shared>>) dst(%dma_wait3A_46 : memref<640x128xf32, #tpu.memory_space<hbm>>)
      tpu.yield
    }) : () -> ()
    return
  }
}

#map = affine_map<(d0, d1) -> (0, 0)>
#map1 = affine_map<(d0, d1) -> (0, 0, 0)>
module attributes {stable_mosaic.version = 14 : i64} {
  func.func @_agg_kernel(%arg0: i32, %arg1: i32, %arg2: memref<10000x128xf32, #tpu.memory_space<hbm>>, %arg3: memref<32x80x128xi32, #tpu.memory_space<hbm>>, %arg4: memref<32x80x128xi32, #tpu.memory_space<hbm>>, %arg5: memref<10240x128xf32, #tpu.memory_space<hbm>>, %arg6: memref<2x10240x128xf32, #tpu.memory_space<hbm>>, %arg7: memref<40x128xi32, #tpu.memory_space<vmem>>, %arg8: memref<40x128xi32, #tpu.memory_space<vmem>>, %arg9: memref<128x128xf32, #tpu.memory_space<vmem>>, %arg10: memref<128x128xf32, #tpu.memory_space<vmem>>, %arg11: memref<10240x128xf32, #tpu.memory_space<vmem_shared>>, %arg12: memref<!tpu.dma_semaphore, #tpu.memory_space<semaphore_mem>>, %arg13: memref<!tpu.dma_semaphore, #tpu.memory_space<semaphore_mem>>, %arg14: memref<!tpu.dma_semaphore, #tpu.memory_space<semaphore_mem>>, %arg15: memref<!tpu.dma_semaphore, #tpu.memory_space<semaphore_mem>>) attributes {dimension_semantics = [#tpu.dimension_semantics<core_parallel>, #tpu.dimension_semantics<subcore_parallel>], iteration_bounds = array<i64: 2, 16>, scalar_prefetch = 0 : i64, scratch_operands = 9 : i64, tpu.core_type = #tpu.core_type<sc_vector_subcore>, window_params = [{transform_indices = #map}, {transform_indices = #map1}, {transform_indices = #map1}, {transform_indices = #map}, {transform_indices = #map1}]} {
    %mul3A = arith.constant 16 : i32
    %mul3A_0 = arith.muli %arg0, %mul3A : i32
    %add3A = arith.addi %mul3A_0, %arg1 : i32
    %mul3A_1 = arith.constant 640 : i32
    %mul3A_2 = arith.muli %arg1, %mul3A_1 : i32
    "tpu.region"() ({
      %run_scoped3A = tpu.sem_alloc : memref<!tpu.dma_semaphore, #tpu.memory_space<semaphore_mem>>
      %dma_start3A_40 = arith.constant 0 : i32
      %dma_start3A_41 = tpu.memref_slice %arg11[%mul3A_2, %dma_start3A_40] : memref<10240x128xf32, #tpu.memory_space<vmem_shared>> -> memref<640x128xf32, #tpu.memory_space<vmem_shared>>
      %dma_start3A_42 = arith.constant 0 : i32
      %dma_start3A_43 = tpu.memref_slice %arg5[%mul3A_2, %dma_start3A_42] : memref<10240x128xf32, #tpu.memory_space<hbm>> -> memref<640x128xf32, #tpu.memory_space<hbm>>
      tpu.enqueue_dma source(%dma_start3A_43 : memref<640x128xf32, #tpu.memory_space<hbm>>) target(%dma_start3A_41 : memref<640x128xf32, #tpu.memory_space<vmem_shared>>) target_semaphore(%run_scoped3A : memref<!tpu.dma_semaphore, #tpu.memory_space<semaphore_mem>>)
      %dma_wait3A = arith.constant 0 : i32
      %dma_wait3A_44 = tpu.memref_slice %arg11[%mul3A_2, %dma_wait3A] : memref<10240x128xf32, #tpu.memory_space<vmem_shared>> -> memref<640x128xf32, #tpu.memory_space<vmem_shared>>
      %dma_wait3A_45 = arith.constant 0 : i32
      %dma_wait3A_46 = tpu.memref_slice %arg5[%mul3A_2, %dma_wait3A_45] : memref<10240x128xf32, #tpu.memory_space<hbm>> -> memref<640x128xf32, #tpu.memory_space<hbm>>
      tpu.wait_dma2 semaphore(%run_scoped3A : memref<!tpu.dma_semaphore, #tpu.memory_space<semaphore_mem>>) src(%dma_wait3A_46 : memref<640x128xf32, #tpu.memory_space<hbm>>) dst(%dma_wait3A_44 : memref<640x128xf32, #tpu.memory_space<vmem_shared>>)
      tpu.yield
    }) : () -> ()
    %barrier3A = arith.constant 0 : index
    tpu.barrier barrier_id(%barrier3A)
    "tpu.region"() ({
      %run_scoped3A = tpu.sem_alloc : memref<!tpu.dma_semaphore, #tpu.memory_space<semaphore_mem>>
      %dma_start3A_40 = arith.constant 0 : i32
      %dma_start3A_41 = arith.constant 0 : i32
      %dma_start3A_42 = tpu.memref_slice %arg3[%add3A, %dma_start3A_40, %dma_start3A_41] : memref<32x80x128xi32, #tpu.memory_space<hbm>> -> memref<1x40x128xi32, #tpu.memory_space<hbm>>
      %dma_start3A_43 = tpu.memref_squeeze %dma_start3A_42 : memref<1x40x128xi32, #tpu.memory_space<hbm>> -> memref<40x128xi32, #tpu.memory_space<hbm>>
      %dma_start3A_44 = arith.constant 0 : i32
      %dma_start3A_45 = arith.constant 0 : i32
      %dma_start3A_46 = tpu.memref_slice %arg3[%add3A, %dma_start3A_44, %dma_start3A_45] : memref<32x80x128xi32, #tpu.memory_space<hbm>> -> memref<1x40x128xi32, #tpu.memory_space<hbm>>
      %dma_start3A_47 = tpu.memref_squeeze %dma_start3A_46 : memref<1x40x128xi32, #tpu.memory_space<hbm>> -> memref<40x128xi32, #tpu.memory_space<hbm>>
      tpu.enqueue_dma source(%dma_start3A_47 : memref<40x128xi32, #tpu.memory_space<hbm>>) target(%arg7 : memref<40x128xi32, #tpu.memory_space<vmem>>) target_semaphore(%run_scoped3A : memref<!tpu.dma_semaphore, #tpu.memory_space<semaphore_mem>>)
      %dma_wait3A = arith.constant 0 : i32
      %dma_wait3A_48 = arith.constant 0 : i32
      %dma_wait3A_49 = tpu.memref_slice %arg3[%add3A, %dma_wait3A, %dma_wait3A_48] : memref<32x80x128xi32, #tpu.memory_space<hbm>> -> memref<1x40x128xi32, #tpu.memory_space<hbm>>
      %dma_wait3A_50 = tpu.memref_squeeze %dma_wait3A_49 : memref<1x40x128xi32, #tpu.memory_space<hbm>> -> memref<40x128xi32, #tpu.memory_space<hbm>>
      %dma_wait3A_51 = arith.constant 0 : i32
      %dma_wait3A_52 = arith.constant 0 : i32
      %dma_wait3A_53 = tpu.memref_slice %arg3[%add3A, %dma_wait3A_51, %dma_wait3A_52] : memref<32x80x128xi32, #tpu.memory_space<hbm>> -> memref<1x40x128xi32, #tpu.memory_space<hbm>>
      %dma_wait3A_54 = tpu.memref_squeeze %dma_wait3A_53 : memref<1x40x128xi32, #tpu.memory_space<hbm>> -> memref<40x128xi32, #tpu.memory_space<hbm>>
      tpu.wait_dma2 semaphore(%run_scoped3A : memref<!tpu.dma_semaphore, #tpu.memory_space<semaphore_mem>>) src(%dma_wait3A_54 : memref<40x128xi32, #tpu.memory_space<hbm>>) dst(%arg7 : memref<40x128xi32, #tpu.memory_space<vmem>>)
      tpu.yield
    }) : () -> ()
    "tpu.region"() ({
      %run_scoped3A = tpu.sem_alloc : memref<!tpu.dma_semaphore, #tpu.memory_space<semaphore_mem>>
      %dma_start3A_40 = arith.constant 0 : i32
      %dma_start3A_41 = arith.constant 0 : i32
      %dma_start3A_42 = tpu.memref_slice %arg4[%add3A, %dma_start3A_40, %dma_start3A_41] : memref<32x80x128xi32, #tpu.memory_space<hbm>> -> memref<1x40x128xi32, #tpu.memory_space<hbm>>
      %dma_start3A_43 = tpu.memref_squeeze %dma_start3A_42 : memref<1x40x128xi32, #tpu.memory_space<hbm>> -> memref<40x128xi32, #tpu.memory_space<hbm>>
      %dma_start3A_44 = arith.constant 0 : i32
      %dma_start3A_45 = arith.constant 0 : i32
      %dma_start3A_46 = tpu.memref_slice %arg4[%add3A, %dma_start3A_44, %dma_start3A_45] : memref<32x80x128xi32, #tpu.memory_space<hbm>> -> memref<1x40x128xi32, #tpu.memory_space<hbm>>
      %dma_start3A_47 = tpu.memref_squeeze %dma_start3A_46 : memref<1x40x128xi32, #tpu.memory_space<hbm>> -> memref<40x128xi32, #tpu.memory_space<hbm>>
      tpu.enqueue_dma source(%dma_start3A_47 : memref<40x128xi32, #tpu.memory_space<hbm>>) target(%arg8 : memref<40x128xi32, #tpu.memory_space<vmem>>) target_semaphore(%run_scoped3A : memref<!tpu.dma_semaphore, #tpu.memory_space<semaphore_mem>>)
      %dma_wait3A = arith.constant 0 : i32
      %dma_wait3A_48 = arith.constant 0 : i32
      %dma_wait3A_49 = tpu.memref_slice %arg4[%add3A, %dma_wait3A, %dma_wait3A_48] : memref<32x80x128xi32, #tpu.memory_space<hbm>> -> memref<1x40x128xi32, #tpu.memory_space<hbm>>
      %dma_wait3A_50 = tpu.memref_squeeze %dma_wait3A_49 : memref<1x40x128xi32, #tpu.memory_space<hbm>> -> memref<40x128xi32, #tpu.memory_space<hbm>>
      %dma_wait3A_51 = arith.constant 0 : i32
      %dma_wait3A_52 = arith.constant 0 : i32
      %dma_wait3A_53 = tpu.memref_slice %arg4[%add3A, %dma_wait3A_51, %dma_wait3A_52] : memref<32x80x128xi32, #tpu.memory_space<hbm>> -> memref<1x40x128xi32, #tpu.memory_space<hbm>>
      %dma_wait3A_54 = tpu.memref_squeeze %dma_wait3A_53 : memref<1x40x128xi32, #tpu.memory_space<hbm>> -> memref<40x128xi32, #tpu.memory_space<hbm>>
      tpu.wait_dma2 semaphore(%run_scoped3A : memref<!tpu.dma_semaphore, #tpu.memory_space<semaphore_mem>>) src(%dma_wait3A_54 : memref<40x128xi32, #tpu.memory_space<hbm>>) dst(%arg8 : memref<40x128xi32, #tpu.memory_space<vmem>>)
      tpu.yield
    }) : () -> ()
    %dma_start3A = arith.constant 0 : i32
    %dma_start3A_3 = arith.constant 0 : i32
    %dma_start3A_4 = tpu.memref_slice %arg7[%dma_start3A, %dma_start3A_3] : memref<40x128xi32, #tpu.memory_space<vmem>> -> memref<1x128xi32, #tpu.memory_space<vmem>>
    %dma_start3A_5 = tpu.memref_squeeze %dma_start3A_4 : memref<1x128xi32, #tpu.memory_space<vmem>> -> memref<128xi32, #tpu.memory_space<vmem>>
    %dma_start3A_6 = arith.constant 0 : i32
    %dma_start3A_7 = arith.constant 0 : i32
    %dma_start3A_8 = tpu.memref_slice %arg2[%dma_start3A_6, %dma_start3A_7] : memref<10000x128xf32, #tpu.memory_space<hbm>> -> memref<10000x128xf32, #tpu.memory_space<hbm>>
    tpu.enqueue_indirect_dma source(%dma_start3A_8 : memref<10000x128xf32, #tpu.memory_space<hbm>>) target(%arg9 : memref<128x128xf32, #tpu.memory_space<vmem>>) offsets(%dma_start3A_5 : memref<128xi32, #tpu.memory_space<vmem>>) semaphore(%arg12 : memref<!tpu.dma_semaphore, #tpu.memory_space<semaphore_mem>>)
    %dma_start3A_9 = arith.constant 1 : i32
    %dma_start3A_10 = arith.constant 0 : i32
    %dma_start3A_11 = tpu.memref_slice %arg7[%dma_start3A_9, %dma_start3A_10] : memref<40x128xi32, #tpu.memory_space<vmem>> -> memref<1x128xi32, #tpu.memory_space<vmem>>
    %dma_start3A_12 = tpu.memref_squeeze %dma_start3A_11 : memref<1x128xi32, #tpu.memory_space<vmem>> -> memref<128xi32, #tpu.memory_space<vmem>>
    %dma_start3A_13 = arith.constant 0 : i32
    %dma_start3A_14 = arith.constant 0 : i32
    %dma_start3A_15 = tpu.memref_slice %arg2[%dma_start3A_13, %dma_start3A_14] : memref<10000x128xf32, #tpu.memory_space<hbm>> -> memref<10000x128xf32, #tpu.memory_space<hbm>>
    tpu.enqueue_indirect_dma source(%dma_start3A_15 : memref<10000x128xf32, #tpu.memory_space<hbm>>) target(%arg10 : memref<128x128xf32, #tpu.memory_space<vmem>>) offsets(%dma_start3A_12 : memref<128xi32, #tpu.memory_space<vmem>>) semaphore(%arg13 : memref<!tpu.dma_semaphore, #tpu.memory_space<semaphore_mem>>)
    %scan3A = arith.constant 0 : i32
    %scan3A_16 = arith.constant 20 : i32
    %scan3A_17 = arith.addi %scan3A, %scan3A_16 : i32
    %scan3A_18 = arith.constant 1 : i32
    scf.for %scan3A_40 = %scan3A to %scan3A_17 step %scan3A_18  : i32 {
      %mul3A_41 = arith.constant 2 : i32
      %mul3A_42 = arith.muli %scan3A_40, %mul3A_41 : i32
      %add3A_43 = arith.constant 0 : i32
      %add3A_44 = arith.addi %add3A_43, %mul3A_42 : i32
      %dma_wait3A = arith.constant 0 : i32
      %dma_wait3A_45 = tpu.memref_slice %arg7[%add3A_44, %dma_wait3A] : memref<40x128xi32, #tpu.memory_space<vmem>> -> memref<1x128xi32, #tpu.memory_space<vmem>>
      %dma_wait3A_46 = tpu.memref_squeeze %dma_wait3A_45 : memref<1x128xi32, #tpu.memory_space<vmem>> -> memref<128xi32, #tpu.memory_space<vmem>>
      %dma_wait3A_47 = arith.constant 0 : i32
      %dma_wait3A_48 = arith.constant 0 : i32
      %dma_wait3A_49 = tpu.memref_slice %arg2[%dma_wait3A_47, %dma_wait3A_48] : memref<10000x128xf32, #tpu.memory_space<hbm>> -> memref<10000x128xf32, #tpu.memory_space<hbm>>
      tpu.wait_indirect_dma semaphore(%arg12 : memref<!tpu.dma_semaphore, #tpu.memory_space<semaphore_mem>>) src(%dma_wait3A_49 : memref<10000x128xf32, #tpu.memory_space<hbm>>) dst(%arg9 : memref<128x128xf32, #tpu.memory_space<vmem>>)
      "tpu.region"() ({
        %run_scoped3A = tpu.sem_alloc : memref<!tpu.dma_semaphore, #tpu.memory_space<semaphore_mem>>
        %dma_start3A_71 = arith.constant 0 : i32
        %dma_start3A_72 = tpu.memref_slice %arg8[%add3A_44, %dma_start3A_71] : memref<40x128xi32, #tpu.memory_space<vmem>> -> memref<1x128xi32, #tpu.memory_space<vmem>>
        %dma_start3A_73 = tpu.memref_squeeze %dma_start3A_72 : memref<1x128xi32, #tpu.memory_space<vmem>> -> memref<128xi32, #tpu.memory_space<vmem>>
        %dma_start3A_74 = arith.constant 0 : i32
        %dma_start3A_75 = arith.constant 0 : i32
        %dma_start3A_76 = tpu.memref_slice %arg11[%dma_start3A_74, %dma_start3A_75] : memref<10240x128xf32, #tpu.memory_space<vmem_shared>> -> memref<10240x128xf32, #tpu.memory_space<vmem_shared>>
        tpu.enqueue_indirect_dma source(%arg9 : memref<128x128xf32, #tpu.memory_space<vmem>>) target(%dma_start3A_76 : memref<10240x128xf32, #tpu.memory_space<vmem_shared>>) offsets(%dma_start3A_73 : memref<128xi32, #tpu.memory_space<vmem>>) semaphore(%run_scoped3A : memref<!tpu.dma_semaphore, #tpu.memory_space<semaphore_mem>>) {add = true}
        %dma_wait3A_77 = arith.constant 0 : i32
        %dma_wait3A_78 = tpu.memref_slice %arg8[%add3A_44, %dma_wait3A_77] : memref<40x128xi32, #tpu.memory_space<vmem>> -> memref<1x128xi32, #tpu.memory_space<vmem>>
        %dma_wait3A_79 = tpu.memref_squeeze %dma_wait3A_78 : memref<1x128xi32, #tpu.memory_space<vmem>> -> memref<128xi32, #tpu.memory_space<vmem>>
        %dma_wait3A_80 = arith.constant 0 : i32
        %dma_wait3A_81 = arith.constant 0 : i32
        %dma_wait3A_82 = tpu.memref_slice %arg11[%dma_wait3A_80, %dma_wait3A_81] : memref<10240x128xf32, #tpu.memory_space<vmem_shared>> -> memref<10240x128xf32, #tpu.memory_space<vmem_shared>>
        tpu.wait_indirect_dma semaphore(%run_scoped3A : memref<!tpu.dma_semaphore, #tpu.memory_space<semaphore_mem>>) src(%arg9 : memref<128x128xf32, #tpu.memory_space<vmem>>) dst(%dma_wait3A_82 : memref<10240x128xf32, #tpu.memory_space<vmem_shared>>)
        tpu.yield
      }) : () -> ()
      %add3A_50 = arith.constant 2 : i32
      %add3A_51 = arith.addi %add3A_44, %add3A_50 : i32
      %lt3A = arith.constant 40 : i32
      %lt3A_52 = arith.cmpi slt, %add3A_51, %lt3A : i32
      %convert_element_type3A = arith.extui %lt3A_52 : i1 to i32
      %cond3A = arith.constant 0 : i32
      %cond3A_53 = arith.cmpi ne, %convert_element_type3A, %cond3A : i32
      scf.if %cond3A_53 {
        %add3A_71 = arith.constant 2 : i32
        %add3A_72 = arith.addi %add3A_44, %add3A_71 : i32
        %dma_start3A_73 = arith.constant 0 : i32
        %dma_start3A_74 = tpu.memref_slice %arg7[%add3A_72, %dma_start3A_73] : memref<40x128xi32, #tpu.memory_space<vmem>> -> memref<1x128xi32, #tpu.memory_space<vmem>>
        %dma_start3A_75 = tpu.memref_squeeze %dma_start3A_74 : memref<1x128xi32, #tpu.memory_space<vmem>> -> memref<128xi32, #tpu.memory_space<vmem>>
        %dma_start3A_76 = arith.constant 0 : i32
        %dma_start3A_77 = arith.constant 0 : i32
        %dma_start3A_78 = tpu.memref_slice %arg2[%dma_start3A_76, %dma_start3A_77] : memref<10000x128xf32, #tpu.memory_space<hbm>> -> memref<10000x128xf32, #tpu.memory_space<hbm>>
        tpu.enqueue_indirect_dma source(%dma_start3A_78 : memref<10000x128xf32, #tpu.memory_space<hbm>>) target(%arg9 : memref<128x128xf32, #tpu.memory_space<vmem>>) offsets(%dma_start3A_75 : memref<128xi32, #tpu.memory_space<vmem>>) semaphore(%arg12 : memref<!tpu.dma_semaphore, #tpu.memory_space<semaphore_mem>>)
      } else {
      }
      %add3A_54 = arith.constant 1 : i32
      %add3A_55 = arith.addi %add3A_44, %add3A_54 : i32
      %dma_wait3A_56 = arith.constant 0 : i32
      %dma_wait3A_57 = tpu.memref_slice %arg7[%add3A_55, %dma_wait3A_56] : memref<40x128xi32, #tpu.memory_space<vmem>> -> memref<1x128xi32, #tpu.memory_space<vmem>>
      %dma_wait3A_58 = tpu.memref_squeeze %dma_wait3A_57 : memref<1x128xi32, #tpu.memory_space<vmem>> -> memref<128xi32, #tpu.memory_space<vmem>>
      %dma_wait3A_59 = arith.constant 0 : i32
      %dma_wait3A_60 = arith.constant 0 : i32
      %dma_wait3A_61 = tpu.memref_slice %arg2[%dma_wait3A_59, %dma_wait3A_60] : memref<10000x128xf32, #tpu.memory_space<hbm>> -> memref<10000x128xf32, #tpu.memory_space<hbm>>
      tpu.wait_indirect_dma semaphore(%arg13 : memref<!tpu.dma_semaphore, #tpu.memory_space<semaphore_mem>>) src(%dma_wait3A_61 : memref<10000x128xf32, #tpu.memory_space<hbm>>) dst(%arg10 : memref<128x128xf32, #tpu.memory_space<vmem>>)
      %add3A_62 = arith.constant 1 : i32
      %add3A_63 = arith.addi %add3A_44, %add3A_62 : i32
      "tpu.region"() ({
        %run_scoped3A = tpu.sem_alloc : memref<!tpu.dma_semaphore, #tpu.memory_space<semaphore_mem>>
        %dma_start3A_71 = arith.constant 0 : i32
        %dma_start3A_72 = tpu.memref_slice %arg8[%add3A_63, %dma_start3A_71] : memref<40x128xi32, #tpu.memory_space<vmem>> -> memref<1x128xi32, #tpu.memory_space<vmem>>
        %dma_start3A_73 = tpu.memref_squeeze %dma_start3A_72 : memref<1x128xi32, #tpu.memory_space<vmem>> -> memref<128xi32, #tpu.memory_space<vmem>>
        %dma_start3A_74 = arith.constant 0 : i32
        %dma_start3A_75 = arith.constant 0 : i32
        %dma_start3A_76 = tpu.memref_slice %arg11[%dma_start3A_74, %dma_start3A_75] : memref<10240x128xf32, #tpu.memory_space<vmem_shared>> -> memref<10240x128xf32, #tpu.memory_space<vmem_shared>>
        tpu.enqueue_indirect_dma source(%arg10 : memref<128x128xf32, #tpu.memory_space<vmem>>) target(%dma_start3A_76 : memref<10240x128xf32, #tpu.memory_space<vmem_shared>>) offsets(%dma_start3A_73 : memref<128xi32, #tpu.memory_space<vmem>>) semaphore(%run_scoped3A : memref<!tpu.dma_semaphore, #tpu.memory_space<semaphore_mem>>) {add = true}
        %dma_wait3A_77 = arith.constant 0 : i32
        %dma_wait3A_78 = tpu.memref_slice %arg8[%add3A_63, %dma_wait3A_77] : memref<40x128xi32, #tpu.memory_space<vmem>> -> memref<1x128xi32, #tpu.memory_space<vmem>>
        %dma_wait3A_79 = tpu.memref_squeeze %dma_wait3A_78 : memref<1x128xi32, #tpu.memory_space<vmem>> -> memref<128xi32, #tpu.memory_space<vmem>>
        %dma_wait3A_80 = arith.constant 0 : i32
        %dma_wait3A_81 = arith.constant 0 : i32
        %dma_wait3A_82 = tpu.memref_slice %arg11[%dma_wait3A_80, %dma_wait3A_81] : memref<10240x128xf32, #tpu.memory_space<vmem_shared>> -> memref<10240x128xf32, #tpu.memory_space<vmem_shared>>
        tpu.wait_indirect_dma semaphore(%run_scoped3A : memref<!tpu.dma_semaphore, #tpu.memory_space<semaphore_mem>>) src(%arg10 : memref<128x128xf32, #tpu.memory_space<vmem>>) dst(%dma_wait3A_82 : memref<10240x128xf32, #tpu.memory_space<vmem_shared>>)
        tpu.yield
      }) : () -> ()
      %add3A_64 = arith.constant 3 : i32
      %add3A_65 = arith.addi %add3A_44, %add3A_64 : i32
      %lt3A_66 = arith.constant 40 : i32
      %lt3A_67 = arith.cmpi slt, %add3A_65, %lt3A_66 : i32
      %convert_element_type3A_68 = arith.extui %lt3A_67 : i1 to i32
      %cond3A_69 = arith.constant 0 : i32
      %cond3A_70 = arith.cmpi ne, %convert_element_type3A_68, %cond3A_69 : i32
      scf.if %cond3A_70 {
        %add3A_71 = arith.constant 3 : i32
        %add3A_72 = arith.addi %add3A_44, %add3A_71 : i32
        %dma_start3A_73 = arith.constant 0 : i32
        %dma_start3A_74 = tpu.memref_slice %arg7[%add3A_72, %dma_start3A_73] : memref<40x128xi32, #tpu.memory_space<vmem>> -> memref<1x128xi32, #tpu.memory_space<vmem>>
        %dma_start3A_75 = tpu.memref_squeeze %dma_start3A_74 : memref<1x128xi32, #tpu.memory_space<vmem>> -> memref<128xi32, #tpu.memory_space<vmem>>
        %dma_start3A_76 = arith.constant 0 : i32
        %dma_start3A_77 = arith.constant 0 : i32
        %dma_start3A_78 = tpu.memref_slice %arg2[%dma_start3A_76, %dma_start3A_77] : memref<10000x128xf32, #tpu.memory_space<hbm>> -> memref<10000x128xf32, #tpu.memory_space<hbm>>
        tpu.enqueue_indirect_dma source(%dma_start3A_78 : memref<10000x128xf32, #tpu.memory_space<hbm>>) target(%arg10 : memref<128x128xf32, #tpu.memory_space<vmem>>) offsets(%dma_start3A_75 : memref<128xi32, #tpu.memory_space<vmem>>) semaphore(%arg13 : memref<!tpu.dma_semaphore, #tpu.memory_space<semaphore_mem>>)
      } else {
      }
    }
    %scan3A_19 = arith.constant 20 : i32
    "tpu.region"() ({
      %run_scoped3A = tpu.sem_alloc : memref<!tpu.dma_semaphore, #tpu.memory_space<semaphore_mem>>
      %dma_start3A_40 = arith.constant 40 : i32
      %dma_start3A_41 = arith.constant 0 : i32
      %dma_start3A_42 = tpu.memref_slice %arg3[%add3A, %dma_start3A_40, %dma_start3A_41] : memref<32x80x128xi32, #tpu.memory_space<hbm>> -> memref<1x40x128xi32, #tpu.memory_space<hbm>>
      %dma_start3A_43 = tpu.memref_squeeze %dma_start3A_42 : memref<1x40x128xi32, #tpu.memory_space<hbm>> -> memref<40x128xi32, #tpu.memory_space<hbm>>
      %dma_start3A_44 = arith.constant 40 : i32
      %dma_start3A_45 = arith.constant 0 : i32
      %dma_start3A_46 = tpu.memref_slice %arg3[%add3A, %dma_start3A_44, %dma_start3A_45] : memref<32x80x128xi32, #tpu.memory_space<hbm>> -> memref<1x40x128xi32, #tpu.memory_space<hbm>>
      %dma_start3A_47 = tpu.memref_squeeze %dma_start3A_46 : memref<1x40x128xi32, #tpu.memory_space<hbm>> -> memref<40x128xi32, #tpu.memory_space<hbm>>
      tpu.enqueue_dma source(%dma_start3A_47 : memref<40x128xi32, #tpu.memory_space<hbm>>) target(%arg7 : memref<40x128xi32, #tpu.memory_space<vmem>>) target_semaphore(%run_scoped3A : memref<!tpu.dma_semaphore, #tpu.memory_space<semaphore_mem>>)
      %dma_wait3A = arith.constant 40 : i32
      %dma_wait3A_48 = arith.constant 0 : i32
      %dma_wait3A_49 = tpu.memref_slice %arg3[%add3A, %dma_wait3A, %dma_wait3A_48] : memref<32x80x128xi32, #tpu.memory_space<hbm>> -> memref<1x40x128xi32, #tpu.memory_space<hbm>>
      %dma_wait3A_50 = tpu.memref_squeeze %dma_wait3A_49 : memref<1x40x128xi32, #tpu.memory_space<hbm>> -> memref<40x128xi32, #tpu.memory_space<hbm>>
      %dma_wait3A_51 = arith.constant 40 : i32
      %dma_wait3A_52 = arith.constant 0 : i32
      %dma_wait3A_53 = tpu.memref_slice %arg3[%add3A, %dma_wait3A_51, %dma_wait3A_52] : memref<32x80x128xi32, #tpu.memory_space<hbm>> -> memref<1x40x128xi32, #tpu.memory_space<hbm>>
      %dma_wait3A_54 = tpu.memref_squeeze %dma_wait3A_53 : memref<1x40x128xi32, #tpu.memory_space<hbm>> -> memref<40x128xi32, #tpu.memory_space<hbm>>
      tpu.wait_dma2 semaphore(%run_scoped3A : memref<!tpu.dma_semaphore, #tpu.memory_space<semaphore_mem>>) src(%dma_wait3A_54 : memref<40x128xi32, #tpu.memory_space<hbm>>) dst(%arg7 : memref<40x128xi32, #tpu.memory_space<vmem>>)
      tpu.yield
    }) : () -> ()
    "tpu.region"() ({
      %run_scoped3A = tpu.sem_alloc : memref<!tpu.dma_semaphore, #tpu.memory_space<semaphore_mem>>
      %dma_start3A_40 = arith.constant 40 : i32
      %dma_start3A_41 = arith.constant 0 : i32
      %dma_start3A_42 = tpu.memref_slice %arg4[%add3A, %dma_start3A_40, %dma_start3A_41] : memref<32x80x128xi32, #tpu.memory_space<hbm>> -> memref<1x40x128xi32, #tpu.memory_space<hbm>>
      %dma_start3A_43 = tpu.memref_squeeze %dma_start3A_42 : memref<1x40x128xi32, #tpu.memory_space<hbm>> -> memref<40x128xi32, #tpu.memory_space<hbm>>
      %dma_start3A_44 = arith.constant 40 : i32
      %dma_start3A_45 = arith.constant 0 : i32
      %dma_start3A_46 = tpu.memref_slice %arg4[%add3A, %dma_start3A_44, %dma_start3A_45] : memref<32x80x128xi32, #tpu.memory_space<hbm>> -> memref<1x40x128xi32, #tpu.memory_space<hbm>>
      %dma_start3A_47 = tpu.memref_squeeze %dma_start3A_46 : memref<1x40x128xi32, #tpu.memory_space<hbm>> -> memref<40x128xi32, #tpu.memory_space<hbm>>
      tpu.enqueue_dma source(%dma_start3A_47 : memref<40x128xi32, #tpu.memory_space<hbm>>) target(%arg8 : memref<40x128xi32, #tpu.memory_space<vmem>>) target_semaphore(%run_scoped3A : memref<!tpu.dma_semaphore, #tpu.memory_space<semaphore_mem>>)
      %dma_wait3A = arith.constant 40 : i32
      %dma_wait3A_48 = arith.constant 0 : i32
      %dma_wait3A_49 = tpu.memref_slice %arg4[%add3A, %dma_wait3A, %dma_wait3A_48] : memref<32x80x128xi32, #tpu.memory_space<hbm>> -> memref<1x40x128xi32, #tpu.memory_space<hbm>>
      %dma_wait3A_50 = tpu.memref_squeeze %dma_wait3A_49 : memref<1x40x128xi32, #tpu.memory_space<hbm>> -> memref<40x128xi32, #tpu.memory_space<hbm>>
      %dma_wait3A_51 = arith.constant 40 : i32
      %dma_wait3A_52 = arith.constant 0 : i32
      %dma_wait3A_53 = tpu.memref_slice %arg4[%add3A, %dma_wait3A_51, %dma_wait3A_52] : memref<32x80x128xi32, #tpu.memory_space<hbm>> -> memref<1x40x128xi32, #tpu.memory_space<hbm>>
      %dma_wait3A_54 = tpu.memref_squeeze %dma_wait3A_53 : memref<1x40x128xi32, #tpu.memory_space<hbm>> -> memref<40x128xi32, #tpu.memory_space<hbm>>
      tpu.wait_dma2 semaphore(%run_scoped3A : memref<!tpu.dma_semaphore, #tpu.memory_space<semaphore_mem>>) src(%dma_wait3A_54 : memref<40x128xi32, #tpu.memory_space<hbm>>) dst(%arg8 : memref<40x128xi32, #tpu.memory_space<vmem>>)
      tpu.yield
    }) : () -> ()
    %dma_start3A_20 = arith.constant 0 : i32
    %dma_start3A_21 = arith.constant 0 : i32
    %dma_start3A_22 = tpu.memref_slice %arg7[%dma_start3A_20, %dma_start3A_21] : memref<40x128xi32, #tpu.memory_space<vmem>> -> memref<1x128xi32, #tpu.memory_space<vmem>>
    %dma_start3A_23 = tpu.memref_squeeze %dma_start3A_22 : memref<1x128xi32, #tpu.memory_space<vmem>> -> memref<128xi32, #tpu.memory_space<vmem>>
    %dma_start3A_24 = arith.constant 0 : i32
    %dma_start3A_25 = arith.constant 0 : i32
    %dma_start3A_26 = tpu.memref_slice %arg2[%dma_start3A_24, %dma_start3A_25] : memref<10000x128xf32, #tpu.memory_space<hbm>> -> memref<10000x128xf32, #tpu.memory_space<hbm>>
    tpu.enqueue_indirect_dma source(%dma_start3A_26 : memref<10000x128xf32, #tpu.memory_space<hbm>>) target(%arg9 : memref<128x128xf32, #tpu.memory_space<vmem>>) offsets(%dma_start3A_23 : memref<128xi32, #tpu.memory_space<vmem>>) semaphore(%arg12 : memref<!tpu.dma_semaphore, #tpu.memory_space<semaphore_mem>>)
    %dma_start3A_27 = arith.constant 1 : i32
    %dma_start3A_28 = arith.constant 0 : i32
    %dma_start3A_29 = tpu.memref_slice %arg7[%dma_start3A_27, %dma_start3A_28] : memref<40x128xi32, #tpu.memory_space<vmem>> -> memref<1x128xi32, #tpu.memory_space<vmem>>
    %dma_start3A_30 = tpu.memref_squeeze %dma_start3A_29 : memref<1x128xi32, #tpu.memory_space<vmem>> -> memref<128xi32, #tpu.memory_space<vmem>>
    %dma_start3A_31 = arith.constant 0 : i32
    %dma_start3A_32 = arith.constant 0 : i32
    %dma_start3A_33 = tpu.memref_slice %arg2[%dma_start3A_31, %dma_start3A_32] : memref<10000x128xf32, #tpu.memory_space<hbm>> -> memref<10000x128xf32, #tpu.memory_space<hbm>>
    tpu.enqueue_indirect_dma source(%dma_start3A_33 : memref<10000x128xf32, #tpu.memory_space<hbm>>) target(%arg10 : memref<128x128xf32, #tpu.memory_space<vmem>>) offsets(%dma_start3A_30 : memref<128xi32, #tpu.memory_space<vmem>>) semaphore(%arg13 : memref<!tpu.dma_semaphore, #tpu.memory_space<semaphore_mem>>)
    %scan3A_34 = arith.constant 0 : i32
    %scan3A_35 = arith.constant 20 : i32
    %scan3A_36 = arith.addi %scan3A_34, %scan3A_35 : i32
    %scan3A_37 = arith.constant 1 : i32
    scf.for %scan3A_40 = %scan3A_34 to %scan3A_36 step %scan3A_37  : i32 {
      %mul3A_41 = arith.constant 2 : i32
      %mul3A_42 = arith.muli %scan3A_40, %mul3A_41 : i32
      %add3A_43 = arith.constant 0 : i32
      %add3A_44 = arith.addi %add3A_43, %mul3A_42 : i32
      %dma_wait3A = arith.constant 0 : i32
      %dma_wait3A_45 = tpu.memref_slice %arg7[%add3A_44, %dma_wait3A] : memref<40x128xi32, #tpu.memory_space<vmem>> -> memref<1x128xi32, #tpu.memory_space<vmem>>
      %dma_wait3A_46 = tpu.memref_squeeze %dma_wait3A_45 : memref<1x128xi32, #tpu.memory_space<vmem>> -> memref<128xi32, #tpu.memory_space<vmem>>
      %dma_wait3A_47 = arith.constant 0 : i32
      %dma_wait3A_48 = arith.constant 0 : i32
      %dma_wait3A_49 = tpu.memref_slice %arg2[%dma_wait3A_47, %dma_wait3A_48] : memref<10000x128xf32, #tpu.memory_space<hbm>> -> memref<10000x128xf32, #tpu.memory_space<hbm>>
      tpu.wait_indirect_dma semaphore(%arg12 : memref<!tpu.dma_semaphore, #tpu.memory_space<semaphore_mem>>) src(%dma_wait3A_49 : memref<10000x128xf32, #tpu.memory_space<hbm>>) dst(%arg9 : memref<128x128xf32, #tpu.memory_space<vmem>>)
      "tpu.region"() ({
        %run_scoped3A = tpu.sem_alloc : memref<!tpu.dma_semaphore, #tpu.memory_space<semaphore_mem>>
        %dma_start3A_71 = arith.constant 0 : i32
        %dma_start3A_72 = tpu.memref_slice %arg8[%add3A_44, %dma_start3A_71] : memref<40x128xi32, #tpu.memory_space<vmem>> -> memref<1x128xi32, #tpu.memory_space<vmem>>
        %dma_start3A_73 = tpu.memref_squeeze %dma_start3A_72 : memref<1x128xi32, #tpu.memory_space<vmem>> -> memref<128xi32, #tpu.memory_space<vmem>>
        %dma_start3A_74 = arith.constant 0 : i32
        %dma_start3A_75 = arith.constant 0 : i32
        %dma_start3A_76 = tpu.memref_slice %arg11[%dma_start3A_74, %dma_start3A_75] : memref<10240x128xf32, #tpu.memory_space<vmem_shared>> -> memref<10240x128xf32, #tpu.memory_space<vmem_shared>>
        tpu.enqueue_indirect_dma source(%arg9 : memref<128x128xf32, #tpu.memory_space<vmem>>) target(%dma_start3A_76 : memref<10240x128xf32, #tpu.memory_space<vmem_shared>>) offsets(%dma_start3A_73 : memref<128xi32, #tpu.memory_space<vmem>>) semaphore(%run_scoped3A : memref<!tpu.dma_semaphore, #tpu.memory_space<semaphore_mem>>) {add = true}
        %dma_wait3A_77 = arith.constant 0 : i32
        %dma_wait3A_78 = tpu.memref_slice %arg8[%add3A_44, %dma_wait3A_77] : memref<40x128xi32, #tpu.memory_space<vmem>> -> memref<1x128xi32, #tpu.memory_space<vmem>>
        %dma_wait3A_79 = tpu.memref_squeeze %dma_wait3A_78 : memref<1x128xi32, #tpu.memory_space<vmem>> -> memref<128xi32, #tpu.memory_space<vmem>>
        %dma_wait3A_80 = arith.constant 0 : i32
        %dma_wait3A_81 = arith.constant 0 : i32
        %dma_wait3A_82 = tpu.memref_slice %arg11[%dma_wait3A_80, %dma_wait3A_81] : memref<10240x128xf32, #tpu.memory_space<vmem_shared>> -> memref<10240x128xf32, #tpu.memory_space<vmem_shared>>
        tpu.wait_indirect_dma semaphore(%run_scoped3A : memref<!tpu.dma_semaphore, #tpu.memory_space<semaphore_mem>>) src(%arg9 : memref<128x128xf32, #tpu.memory_space<vmem>>) dst(%dma_wait3A_82 : memref<10240x128xf32, #tpu.memory_space<vmem_shared>>)
        tpu.yield
      }) : () -> ()
      %add3A_50 = arith.constant 2 : i32
      %add3A_51 = arith.addi %add3A_44, %add3A_50 : i32
      %lt3A = arith.constant 40 : i32
      %lt3A_52 = arith.cmpi slt, %add3A_51, %lt3A : i32
      %convert_element_type3A = arith.extui %lt3A_52 : i1 to i32
      %cond3A = arith.constant 0 : i32
      %cond3A_53 = arith.cmpi ne, %convert_element_type3A, %cond3A : i32
      scf.if %cond3A_53 {
        %add3A_71 = arith.constant 2 : i32
        %add3A_72 = arith.addi %add3A_44, %add3A_71 : i32
        %dma_start3A_73 = arith.constant 0 : i32
        %dma_start3A_74 = tpu.memref_slice %arg7[%add3A_72, %dma_start3A_73] : memref<40x128xi32, #tpu.memory_space<vmem>> -> memref<1x128xi32, #tpu.memory_space<vmem>>
        %dma_start3A_75 = tpu.memref_squeeze %dma_start3A_74 : memref<1x128xi32, #tpu.memory_space<vmem>> -> memref<128xi32, #tpu.memory_space<vmem>>
        %dma_start3A_76 = arith.constant 0 : i32
        %dma_start3A_77 = arith.constant 0 : i32
        %dma_start3A_78 = tpu.memref_slice %arg2[%dma_start3A_76, %dma_start3A_77] : memref<10000x128xf32, #tpu.memory_space<hbm>> -> memref<10000x128xf32, #tpu.memory_space<hbm>>
        tpu.enqueue_indirect_dma source(%dma_start3A_78 : memref<10000x128xf32, #tpu.memory_space<hbm>>) target(%arg9 : memref<128x128xf32, #tpu.memory_space<vmem>>) offsets(%dma_start3A_75 : memref<128xi32, #tpu.memory_space<vmem>>) semaphore(%arg12 : memref<!tpu.dma_semaphore, #tpu.memory_space<semaphore_mem>>)
      } else {
      }
      %add3A_54 = arith.constant 1 : i32
      %add3A_55 = arith.addi %add3A_44, %add3A_54 : i32
      %dma_wait3A_56 = arith.constant 0 : i32
      %dma_wait3A_57 = tpu.memref_slice %arg7[%add3A_55, %dma_wait3A_56] : memref<40x128xi32, #tpu.memory_space<vmem>> -> memref<1x128xi32, #tpu.memory_space<vmem>>
      %dma_wait3A_58 = tpu.memref_squeeze %dma_wait3A_57 : memref<1x128xi32, #tpu.memory_space<vmem>> -> memref<128xi32, #tpu.memory_space<vmem>>
      %dma_wait3A_59 = arith.constant 0 : i32
      %dma_wait3A_60 = arith.constant 0 : i32
      %dma_wait3A_61 = tpu.memref_slice %arg2[%dma_wait3A_59, %dma_wait3A_60] : memref<10000x128xf32, #tpu.memory_space<hbm>> -> memref<10000x128xf32, #tpu.memory_space<hbm>>
      tpu.wait_indirect_dma semaphore(%arg13 : memref<!tpu.dma_semaphore, #tpu.memory_space<semaphore_mem>>) src(%dma_wait3A_61 : memref<10000x128xf32, #tpu.memory_space<hbm>>) dst(%arg10 : memref<128x128xf32, #tpu.memory_space<vmem>>)
      %add3A_62 = arith.constant 1 : i32
      %add3A_63 = arith.addi %add3A_44, %add3A_62 : i32
      "tpu.region"() ({
        %run_scoped3A = tpu.sem_alloc : memref<!tpu.dma_semaphore, #tpu.memory_space<semaphore_mem>>
        %dma_start3A_71 = arith.constant 0 : i32
        %dma_start3A_72 = tpu.memref_slice %arg8[%add3A_63, %dma_start3A_71] : memref<40x128xi32, #tpu.memory_space<vmem>> -> memref<1x128xi32, #tpu.memory_space<vmem>>
        %dma_start3A_73 = tpu.memref_squeeze %dma_start3A_72 : memref<1x128xi32, #tpu.memory_space<vmem>> -> memref<128xi32, #tpu.memory_space<vmem>>
        %dma_start3A_74 = arith.constant 0 : i32
        %dma_start3A_75 = arith.constant 0 : i32
        %dma_start3A_76 = tpu.memref_slice %arg11[%dma_start3A_74, %dma_start3A_75] : memref<10240x128xf32, #tpu.memory_space<vmem_shared>> -> memref<10240x128xf32, #tpu.memory_space<vmem_shared>>
        tpu.enqueue_indirect_dma source(%arg10 : memref<128x128xf32, #tpu.memory_space<vmem>>) target(%dma_start3A_76 : memref<10240x128xf32, #tpu.memory_space<vmem_shared>>) offsets(%dma_start3A_73 : memref<128xi32, #tpu.memory_space<vmem>>) semaphore(%run_scoped3A : memref<!tpu.dma_semaphore, #tpu.memory_space<semaphore_mem>>) {add = true}
        %dma_wait3A_77 = arith.constant 0 : i32
        %dma_wait3A_78 = tpu.memref_slice %arg8[%add3A_63, %dma_wait3A_77] : memref<40x128xi32, #tpu.memory_space<vmem>> -> memref<1x128xi32, #tpu.memory_space<vmem>>
        %dma_wait3A_79 = tpu.memref_squeeze %dma_wait3A_78 : memref<1x128xi32, #tpu.memory_space<vmem>> -> memref<128xi32, #tpu.memory_space<vmem>>
        %dma_wait3A_80 = arith.constant 0 : i32
        %dma_wait3A_81 = arith.constant 0 : i32
        %dma_wait3A_82 = tpu.memref_slice %arg11[%dma_wait3A_80, %dma_wait3A_81] : memref<10240x128xf32, #tpu.memory_space<vmem_shared>> -> memref<10240x128xf32, #tpu.memory_space<vmem_shared>>
        tpu.wait_indirect_dma semaphore(%run_scoped3A : memref<!tpu.dma_semaphore, #tpu.memory_space<semaphore_mem>>) src(%arg10 : memref<128x128xf32, #tpu.memory_space<vmem>>) dst(%dma_wait3A_82 : memref<10240x128xf32, #tpu.memory_space<vmem_shared>>)
        tpu.yield
      }) : () -> ()
      %add3A_64 = arith.constant 3 : i32
      %add3A_65 = arith.addi %add3A_44, %add3A_64 : i32
      %lt3A_66 = arith.constant 40 : i32
      %lt3A_67 = arith.cmpi slt, %add3A_65, %lt3A_66 : i32
      %convert_element_type3A_68 = arith.extui %lt3A_67 : i1 to i32
      %cond3A_69 = arith.constant 0 : i32
      %cond3A_70 = arith.cmpi ne, %convert_element_type3A_68, %cond3A_69 : i32
      scf.if %cond3A_70 {
        %add3A_71 = arith.constant 3 : i32
        %add3A_72 = arith.addi %add3A_44, %add3A_71 : i32
        %dma_start3A_73 = arith.constant 0 : i32
        %dma_start3A_74 = tpu.memref_slice %arg7[%add3A_72, %dma_start3A_73] : memref<40x128xi32, #tpu.memory_space<vmem>> -> memref<1x128xi32, #tpu.memory_space<vmem>>
        %dma_start3A_75 = tpu.memref_squeeze %dma_start3A_74 : memref<1x128xi32, #tpu.memory_space<vmem>> -> memref<128xi32, #tpu.memory_space<vmem>>
        %dma_start3A_76 = arith.constant 0 : i32
        %dma_start3A_77 = arith.constant 0 : i32
        %dma_start3A_78 = tpu.memref_slice %arg2[%dma_start3A_76, %dma_start3A_77] : memref<10000x128xf32, #tpu.memory_space<hbm>> -> memref<10000x128xf32, #tpu.memory_space<hbm>>
        tpu.enqueue_indirect_dma source(%dma_start3A_78 : memref<10000x128xf32, #tpu.memory_space<hbm>>) target(%arg10 : memref<128x128xf32, #tpu.memory_space<vmem>>) offsets(%dma_start3A_75 : memref<128xi32, #tpu.memory_space<vmem>>) semaphore(%arg13 : memref<!tpu.dma_semaphore, #tpu.memory_space<semaphore_mem>>)
      } else {
      }
    }
    %scan3A_38 = arith.constant 20 : i32
    %barrier3A_39 = arith.constant 0 : index
    tpu.barrier barrier_id(%barrier3A_39)
    "tpu.region"() ({
      %run_scoped3A = tpu.sem_alloc : memref<!tpu.dma_semaphore, #tpu.memory_space<semaphore_mem>>
      %dma_start3A_40 = arith.constant 0 : i32
      %dma_start3A_41 = tpu.memref_slice %arg6[%arg0, %mul3A_2, %dma_start3A_40] : memref<2x10240x128xf32, #tpu.memory_space<hbm>> -> memref<1x640x128xf32, #tpu.memory_space<hbm>>
      %dma_start3A_42 = tpu.memref_squeeze %dma_start3A_41 : memref<1x640x128xf32, #tpu.memory_space<hbm>> -> memref<640x128xf32, #tpu.memory_space<hbm>>
      %dma_start3A_43 = arith.constant 0 : i32
      %dma_start3A_44 = tpu.memref_slice %arg11[%mul3A_2, %dma_start3A_43] : memref<10240x128xf32, #tpu.memory_space<vmem_shared>> -> memref<640x128xf32, #tpu.memory_space<vmem_shared>>
      tpu.enqueue_dma source(%dma_start3A_44 : memref<640x128xf32, #tpu.memory_space<vmem_shared>>) target(%dma_start3A_42 : memref<640x128xf32, #tpu.memory_space<hbm>>) target_semaphore(%run_scoped3A : memref<!tpu.dma_semaphore, #tpu.memory_space<semaphore_mem>>)
      %dma_wait3A = arith.constant 0 : i32
      %dma_wait3A_45 = tpu.memref_slice %arg6[%arg0, %mul3A_2, %dma_wait3A] : memref<2x10240x128xf32, #tpu.memory_space<hbm>> -> memref<1x640x128xf32, #tpu.memory_space<hbm>>
      %dma_wait3A_46 = tpu.memref_squeeze %dma_wait3A_45 : memref<1x640x128xf32, #tpu.memory_space<hbm>> -> memref<640x128xf32, #tpu.memory_space<hbm>>
      %dma_wait3A_47 = arith.constant 0 : i32
      %dma_wait3A_48 = tpu.memref_slice %arg11[%mul3A_2, %dma_wait3A_47] : memref<10240x128xf32, #tpu.memory_space<vmem_shared>> -> memref<640x128xf32, #tpu.memory_space<vmem_shared>>
      tpu.wait_dma2 semaphore(%run_scoped3A : memref<!tpu.dma_semaphore, #tpu.memory_space<semaphore_mem>>) src(%dma_wait3A_48 : memref<640x128xf32, #tpu.memory_space<vmem_shared>>) dst(%dma_wait3A_46 : memref<640x128xf32, #tpu.memory_space<hbm>>)
      tpu.yield
    }) : () -> ()
    return
  }
}

module attributes {stable_mosaic.version = 14 : i64} {
  func.func @_l1_body(%arg0: i32, %arg1: memref<2x8x128xf32, #tpu.memory_space<vmem>>, %arg2: memref<1000x8xf32, #tpu.memory_space<vmem>>, %arg3: memref<1000x128xf32, #tpu.memory_space<vmem>>, %arg4: memref<1000x128xf32, #tpu.memory_space<vmem>>, %arg5: memref<128x128xf32, #tpu.memory_space<vmem>>, %arg6: memref<1000x128xf32, #tpu.memory_space<vmem>>) attributes {dimension_semantics = [#tpu.dimension_semantics<arbitrary>], iteration_bounds = array<i64: 10>, scalar_prefetch = 0 : i64, scratch_operands = 0 : i64, tpu.core_type = #tpu.core_type<tc>, window_params = [{transform_indices = @transform_0, window_bounds = array<i64: 2, 8, 128>}, {pipeline_mode = #tpu.pipeline_mode<synchronous>, transform_indices = @transform_1, window_bounds = array<i64: 1000, 8>}, {pipeline_mode = #tpu.pipeline_mode<synchronous>, transform_indices = @transform_2, window_bounds = array<i64: 1000, 128>}, {transform_indices = @transform_3, window_bounds = array<i64: 1000, 128>}, {pipeline_mode = #tpu.pipeline_mode<synchronous>, transform_indices = @transform_4, window_bounds = array<i64: 128, 128>}, {transform_indices = @transform_5, window_bounds = array<i64: 1000, 128>}]} {
    %get3A = arith.constant 0 : index
    %get3A_0 = arith.constant 0 : index
    %get3A_1 = vector.load %arg4[%get3A, %get3A_0] : memref<1000x128xf32, #tpu.memory_space<vmem>>, vector<1000x128xf32>
    %get3A_2 = arith.constant 0 : index
    %get3A_3 = arith.constant 0 : index
    %get3A_4 = arith.constant 0 : index
    %get3A_5 = vector.load %arg1[%get3A_2, %get3A_3, %get3A_4] : memref<2x8x128xf32, #tpu.memory_space<vmem>>, vector<1x8x128xf32>
    %get3A_6 = vector.shape_cast %get3A_5 : vector<1x8x128xf32> to vector<8x128xf32>
    %get3A_7 = arith.constant 1 : index
    %get3A_8 = arith.constant 0 : index
    %get3A_9 = arith.constant 0 : index
    %get3A_10 = vector.load %arg1[%get3A_7, %get3A_8, %get3A_9] : memref<2x8x128xf32, #tpu.memory_space<vmem>>, vector<1x8x128xf32>
    %get3A_11 = vector.shape_cast %get3A_10 : vector<1x8x128xf32> to vector<8x128xf32>
    %add3A = arith.addf %get3A_6, %get3A_11 : vector<8x128xf32>
    %get3A_12 = arith.constant 0 : index
    %get3A_13 = arith.constant 0 : index
    %get3A_14 = vector.load %arg2[%get3A_12, %get3A_13] : memref<1000x8xf32, #tpu.memory_space<vmem>>, vector<1000x8xf32>
    %dot_general3A = arith.constant dense<0.000000e+00> : vector<1000x128xf32>
    %dot_general3A_15 = tpu.matmul %get3A_14, %add3A, %dot_general3A {dimension_numbers = #tpu.dot_dimension_numbers<[1], [0], [0], [1], [0, 0, 1, 1], [], []>, transpose_lhs_hint = false} : vector<1000x8xf32>, vector<8x128xf32>, vector<1000x128xf32> -> vector<1000x128xf32>
    %get3A_16 = arith.constant 0 : index
    %get3A_17 = arith.constant 0 : index
    %get3A_18 = vector.load %arg3[%get3A_16, %get3A_17] : memref<1000x128xf32, #tpu.memory_space<vmem>>, vector<1000x128xf32>
    %mul3A = arith.mulf %dot_general3A_15, %get3A_18 : vector<1000x128xf32>
    %reduce_sum3A = arith.constant dense<0.000000e+00> : vector<1000xf32>
    %reduce_sum3A_19 = vector.multi_reduction <add>, %mul3A, %reduce_sum3A [1] : vector<1000x128xf32> to vector<1000xf32>
    %broadcast_in_dim3A = vector.shape_cast %reduce_sum3A_19 : vector<1000xf32> to vector<1000x1xf32>
    %add3A_20 = arith.constant 1.000000e+00 : f32
    %add3A_21 = vector.broadcast %add3A_20 : f32 to vector<1000x1xf32>
    %add3A_22 = arith.addf %broadcast_in_dim3A, %add3A_21 : vector<1000x1xf32>
    %rsqrt3A = math.rsqrt %add3A_22 : vector<1000x1xf32>
    %mul3A_23 = vector.broadcast %rsqrt3A : vector<1000x1xf32> to vector<1000x128xf32>
    %mul3A_24 = arith.mulf %get3A_1, %mul3A_23 : vector<1000x128xf32>
    %get3A_25 = arith.constant 0 : index
    %get3A_26 = arith.constant 0 : index
    %get3A_27 = vector.load %arg5[%get3A_25, %get3A_26] : memref<128x128xf32, #tpu.memory_space<vmem>>, vector<128x128xf32>
    %dot_general3A_28 = arith.constant dense<0.000000e+00> : vector<1000x128xf32>
    %dot_general3A_29 = tpu.matmul %mul3A_24, %get3A_27, %dot_general3A_28 {dimension_numbers = #tpu.dot_dimension_numbers<[1], [0], [0], [1], [0, 0, 1, 1], [], []>, transpose_lhs_hint = false} : vector<1000x128xf32>, vector<128x128xf32>, vector<1000x128xf32> -> vector<1000x128xf32>
    %swap3A = arith.constant 0 : index
    %swap3A_30 = arith.constant 0 : index
    %swap3A_31 = vector.load %arg6[%swap3A, %swap3A_30] : memref<1000x128xf32, #tpu.memory_space<vmem>>, vector<1000x128xf32>
    tpu.vector_store %arg6[%swap3A, %swap3A_30], %dot_general3A_29 {strides = array<i32>} : memref<1000x128xf32, #tpu.memory_space<vmem>>, vector<1000x128xf32>,
    return
  }
  func.func @transform_0(%arg0: i32) -> (i32, i32, i32) {
    %c0_i32 = arith.constant 0 : i32
    %c0_i32_0 = arith.constant 0 : i32
    %c0_i32_1 = arith.constant 0 : i32
    return %c0_i32, %arg0, %c0_i32_0 : i32, i32, i32
  }
  func.func @transform_1(%arg0: i32) -> (i32, i32) {
    %c0_i32 = arith.constant 0 : i32
    %c0_i32_0 = arith.constant 0 : i32
    %c0_i32_1 = arith.constant 0 : i32
    return %c0_i32, %c0_i32_0 : i32, i32
  }
  func.func @transform_2(%arg0: i32) -> (i32, i32) {
    %c0_i32 = arith.constant 0 : i32
    %c0_i32_0 = arith.constant 0 : i32
    %c0_i32_1 = arith.constant 0 : i32
    return %c0_i32, %c0_i32_0 : i32, i32
  }
  func.func @transform_3(%arg0: i32) -> (i32, i32) {
    %c0_i32 = arith.constant 0 : i32
    %c0_i32_0 = arith.constant 0 : i32
    return %arg0, %c0_i32 : i32, i32
  }
  func.func @transform_4(%arg0: i32) -> (i32, i32) {
    %c0_i32 = arith.constant 0 : i32
    %c0_i32_0 = arith.constant 0 : i32
    %c0_i32_1 = arith.constant 0 : i32
    return %c0_i32, %c0_i32_0 : i32, i32
  }
  func.func @transform_5(%arg0: i32) -> (i32, i32) {
    %c0_i32 = arith.constant 0 : i32
    %c0_i32_0 = arith.constant 0 : i32
    return %arg0, %c0_i32 : i32, i32
  }
}

module attributes {stable_mosaic.version = 14 : i64} {
  func.func @_l2_body(%arg0: i32, %arg1: memref<2x8x128xf32, #tpu.memory_space<vmem>>, %arg2: memref<1000x8xf32, #tpu.memory_space<vmem>>, %arg3: memref<1000x128xf32, #tpu.memory_space<vmem>>, %arg4: memref<2x1000x128xf32, #tpu.memory_space<vmem>>, %arg5: memref<1000x128xf32, #tpu.memory_space<vmem>>, %arg6: memref<1x128xf32, #tpu.memory_space<vmem>>, %arg7: memref<128x128xf32, #tpu.memory_space<vmem>>, %arg8: memref<1000x128xf32, #tpu.memory_space<vmem>>) attributes {dimension_semantics = [#tpu.dimension_semantics<arbitrary>], iteration_bounds = array<i64: 10>, scalar_prefetch = 0 : i64, scratch_operands = 0 : i64, tpu.core_type = #tpu.core_type<tc>, window_params = [{transform_indices = @transform_0, window_bounds = array<i64: 2, 8, 128>}, {pipeline_mode = #tpu.pipeline_mode<synchronous>, transform_indices = @transform_1, window_bounds = array<i64: 1000, 8>}, {pipeline_mode = #tpu.pipeline_mode<synchronous>, transform_indices = @transform_2, window_bounds = array<i64: 1000, 128>}, {transform_indices = @transform_3, window_bounds = array<i64: 2, 1000, 128>}, {transform_indices = @transform_4, window_bounds = array<i64: 1000, 128>}, {pipeline_mode = #tpu.pipeline_mode<synchronous>, transform_indices = @transform_5, window_bounds = array<i64: 1, 128>}, {pipeline_mode = #tpu.pipeline_mode<synchronous>, transform_indices = @transform_6, window_bounds = array<i64: 128, 128>}, {transform_indices = @transform_7, window_bounds = array<i64: 1000, 128>}]} {
    %get3A = arith.constant 0 : index
    %get3A_0 = arith.constant 0 : index
    %get3A_1 = arith.constant 0 : index
    %get3A_2 = vector.load %arg1[%get3A, %get3A_0, %get3A_1] : memref<2x8x128xf32, #tpu.memory_space<vmem>>, vector<1x8x128xf32>
    %get3A_3 = vector.shape_cast %get3A_2 : vector<1x8x128xf32> to vector<8x128xf32>
    %get3A_4 = arith.constant 1 : index
    %get3A_5 = arith.constant 0 : index
    %get3A_6 = arith.constant 0 : index
    %get3A_7 = vector.load %arg1[%get3A_4, %get3A_5, %get3A_6] : memref<2x8x128xf32, #tpu.memory_space<vmem>>, vector<1x8x128xf32>
    %get3A_8 = vector.shape_cast %get3A_7 : vector<1x8x128xf32> to vector<8x128xf32>
    %add3A = arith.addf %get3A_3, %get3A_8 : vector<8x128xf32>
    %get3A_9 = arith.constant 0 : index
    %get3A_10 = arith.constant 0 : index
    %get3A_11 = vector.load %arg2[%get3A_9, %get3A_10] : memref<1000x8xf32, #tpu.memory_space<vmem>>, vector<1000x8xf32>
    %dot_general3A = arith.constant dense<0.000000e+00> : vector<1000x128xf32>
    %dot_general3A_12 = tpu.matmul %get3A_11, %add3A, %dot_general3A {dimension_numbers = #tpu.dot_dimension_numbers<[1], [0], [0], [1], [0, 0, 1, 1], [], []>, transpose_lhs_hint = false} : vector<1000x8xf32>, vector<8x128xf32>, vector<1000x128xf32> -> vector<1000x128xf32>
    %get3A_13 = arith.constant 0 : index
    %get3A_14 = arith.constant 0 : index
    %get3A_15 = vector.load %arg3[%get3A_13, %get3A_14] : memref<1000x128xf32, #tpu.memory_space<vmem>>, vector<1000x128xf32>
    %mul3A = arith.mulf %dot_general3A_12, %get3A_15 : vector<1000x128xf32>
    %reduce_sum3A = arith.constant dense<0.000000e+00> : vector<1000xf32>
    %reduce_sum3A_16 = vector.multi_reduction <add>, %mul3A, %reduce_sum3A [1] : vector<1000x128xf32> to vector<1000xf32>
    %broadcast_in_dim3A = vector.shape_cast %reduce_sum3A_16 : vector<1000xf32> to vector<1000x1xf32>
    %add3A_17 = arith.constant 1.000000e+00 : f32
    %add3A_18 = vector.broadcast %add3A_17 : f32 to vector<1000x1xf32>
    %add3A_19 = arith.addf %broadcast_in_dim3A, %add3A_18 : vector<1000x1xf32>
    %rsqrt3A = math.rsqrt %add3A_19 : vector<1000x1xf32>
    %get3A_20 = arith.constant 0 : index
    %get3A_21 = arith.constant 0 : index
    %get3A_22 = arith.constant 0 : index
    %get3A_23 = vector.load %arg4[%get3A_20, %get3A_21, %get3A_22] : memref<2x1000x128xf32, #tpu.memory_space<vmem>>, vector<1x1000x128xf32>
    %get3A_24 = vector.shape_cast %get3A_23 : vector<1x1000x128xf32> to vector<1000x128xf32>
    %get3A_25 = arith.constant 1 : index
    %get3A_26 = arith.constant 0 : index
    %get3A_27 = arith.constant 0 : index
    %get3A_28 = vector.load %arg4[%get3A_25, %get3A_26, %get3A_27] : memref<2x1000x128xf32, #tpu.memory_space<vmem>>, vector<1x1000x128xf32>
    %get3A_29 = vector.shape_cast %get3A_28 : vector<1x1000x128xf32> to vector<1000x128xf32>
    %add3A_30 = arith.addf %get3A_24, %get3A_29 : vector<1000x128xf32>
    %get3A_31 = arith.constant 0 : index
    %get3A_32 = arith.constant 0 : index
    %get3A_33 = vector.load %arg5[%get3A_31, %get3A_32] : memref<1000x128xf32, #tpu.memory_space<vmem>>, vector<1000x128xf32>
    %add3A_34 = arith.addf %add3A_30, %get3A_33 : vector<1000x128xf32>
    %mul3A_35 = vector.broadcast %rsqrt3A : vector<1000x1xf32> to vector<1000x128xf32>
    %mul3A_36 = arith.mulf %add3A_34, %mul3A_35 : vector<1000x128xf32>
    %get3A_37 = arith.constant 0 : index
    %get3A_38 = arith.constant 0 : index
    %get3A_39 = vector.load %arg6[%get3A_37, %get3A_38] : memref<1x128xf32, #tpu.memory_space<vmem>>, vector<1x128xf32>
    %add3A_40 = vector.broadcast %get3A_39 : vector<1x128xf32> to vector<1000x128xf32>
    %add3A_41 = arith.addf %mul3A_36, %add3A_40 : vector<1000x128xf32>
    %max3A = arith.constant 0.000000e+00 : f32
    %max3A_42 = vector.broadcast %max3A : f32 to vector<1000x128xf32>
    %max3A_43 = arith.maximumf %add3A_41, %max3A_42 : vector<1000x128xf32>
    %mul3A_44 = vector.broadcast %rsqrt3A : vector<1000x1xf32> to vector<1000x128xf32>
    %mul3A_45 = arith.mulf %max3A_43, %mul3A_44 : vector<1000x128xf32>
    %get3A_46 = arith.constant 0 : index
    %get3A_47 = arith.constant 0 : index
    %get3A_48 = vector.load %arg7[%get3A_46, %get3A_47] : memref<128x128xf32, #tpu.memory_space<vmem>>, vector<128x128xf32>
    %dot_general3A_49 = arith.constant dense<0.000000e+00> : vector<1000x128xf32>
    %dot_general3A_50 = tpu.matmul %mul3A_45, %get3A_48, %dot_general3A_49 {dimension_numbers = #tpu.dot_dimension_numbers<[1], [0], [0], [1], [0, 0, 1, 1], [], []>, transpose_lhs_hint = false} : vector<1000x128xf32>, vector<128x128xf32>, vector<1000x128xf32> -> vector<1000x128xf32>
    %swap3A = arith.constant 0 : index
    %swap3A_51 = arith.constant 0 : index
    %swap3A_52 = vector.load %arg8[%swap3A, %swap3A_51] : memref<1000x128xf32, #tpu.memory_space<vmem>>, vector<1000x128xf32>
    tpu.vector_store %arg8[%swap3A, %swap3A_51], %dot_general3A_50 {strides = array<i32>} : memref<1000x128xf32, #tpu.memory_space<vmem>>, vector<1000x128xf32>,
    return
  }
  func.func @transform_0(%arg0: i32) -> (i32, i32, i32) {
    %c0_i32 = arith.constant 0 : i32
    %c0_i32_0 = arith.constant 0 : i32
    %c0_i32_1 = arith.constant 0 : i32
    return %c0_i32, %arg0, %c0_i32_0 : i32, i32, i32
  }
  func.func @transform_1(%arg0: i32) -> (i32, i32) {
    %c0_i32 = arith.constant 0 : i32
    %c0_i32_0 = arith.constant 0 : i32
    %c0_i32_1 = arith.constant 0 : i32
    return %c0_i32, %c0_i32_0 : i32, i32
  }
  func.func @transform_2(%arg0: i32) -> (i32, i32) {
    %c0_i32 = arith.constant 0 : i32
    %c0_i32_0 = arith.constant 0 : i32
    %c0_i32_1 = arith.constant 0 : i32
    return %c0_i32, %c0_i32_0 : i32, i32
  }
  func.func @transform_3(%arg0: i32) -> (i32, i32, i32) {
    %c0_i32 = arith.constant 0 : i32
    %c0_i32_0 = arith.constant 0 : i32
    %c0_i32_1 = arith.constant 0 : i32
    return %c0_i32, %arg0, %c0_i32_0 : i32, i32, i32
  }
  func.func @transform_4(%arg0: i32) -> (i32, i32) {
    %c0_i32 = arith.constant 0 : i32
    %c0_i32_0 = arith.constant 0 : i32
    return %arg0, %c0_i32 : i32, i32
  }
  func.func @transform_5(%arg0: i32) -> (i32, i32) {
    %c0_i32 = arith.constant 0 : i32
    %c0_i32_0 = arith.constant 0 : i32
    %c0_i32_1 = arith.constant 0 : i32
    return %c0_i32, %c0_i32_0 : i32, i32
  }
  func.func @transform_6(%arg0: i32) -> (i32, i32) {
    %c0_i32 = arith.constant 0 : i32
    %c0_i32_0 = arith.constant 0 : i32
    %c0_i32_1 = arith.constant 0 : i32
    return %c0_i32, %c0_i32_0 : i32, i32
  }
  func.func @transform_7(%arg0: i32) -> (i32, i32) {
    %c0_i32 = arith.constant 0 : i32
    %c0_i32_0 = arith.constant 0 : i32
    return %arg0, %c0_i32 : i32, i32
  }
}

module attributes {stable_mosaic.version = 14 : i64} {
  func.func @_out_body(%arg0: i32, %arg1: memref<2x8x128xf32, #tpu.memory_space<vmem>>, %arg2: memref<1000x8xf32, #tpu.memory_space<vmem>>, %arg3: memref<1000x128xf32, #tpu.memory_space<vmem>>, %arg4: memref<2x1000x128xf32, #tpu.memory_space<vmem>>, %arg5: memref<1000x128xf32, #tpu.memory_space<vmem>>, %arg6: memref<1x128xf32, #tpu.memory_space<vmem>>, %arg7: memref<1000x128xf32, #tpu.memory_space<vmem>>) attributes {dimension_semantics = [#tpu.dimension_semantics<arbitrary>], iteration_bounds = array<i64: 10>, scalar_prefetch = 0 : i64, scratch_operands = 0 : i64, tpu.core_type = #tpu.core_type<tc>, window_params = [{transform_indices = @transform_0, window_bounds = array<i64: 2, 8, 128>}, {pipeline_mode = #tpu.pipeline_mode<synchronous>, transform_indices = @transform_1, window_bounds = array<i64: 1000, 8>}, {pipeline_mode = #tpu.pipeline_mode<synchronous>, transform_indices = @transform_2, window_bounds = array<i64: 1000, 128>}, {transform_indices = @transform_3, window_bounds = array<i64: 2, 1000, 128>}, {transform_indices = @transform_4, window_bounds = array<i64: 1000, 128>}, {pipeline_mode = #tpu.pipeline_mode<synchronous>, transform_indices = @transform_5, window_bounds = array<i64: 1, 128>}, {transform_indices = @transform_6, window_bounds = array<i64: 1000, 128>}]} {
    %get3A = arith.constant 0 : index
    %get3A_0 = arith.constant 0 : index
    %get3A_1 = arith.constant 0 : index
    %get3A_2 = vector.load %arg1[%get3A, %get3A_0, %get3A_1] : memref<2x8x128xf32, #tpu.memory_space<vmem>>, vector<1x8x128xf32>
    %get3A_3 = vector.shape_cast %get3A_2 : vector<1x8x128xf32> to vector<8x128xf32>
    %get3A_4 = arith.constant 1 : index
    %get3A_5 = arith.constant 0 : index
    %get3A_6 = arith.constant 0 : index
    %get3A_7 = vector.load %arg1[%get3A_4, %get3A_5, %get3A_6] : memref<2x8x128xf32, #tpu.memory_space<vmem>>, vector<1x8x128xf32>
    %get3A_8 = vector.shape_cast %get3A_7 : vector<1x8x128xf32> to vector<8x128xf32>
    %add3A = arith.addf %get3A_3, %get3A_8 : vector<8x128xf32>
    %get3A_9 = arith.constant 0 : index
    %get3A_10 = arith.constant 0 : index
    %get3A_11 = vector.load %arg2[%get3A_9, %get3A_10] : memref<1000x8xf32, #tpu.memory_space<vmem>>, vector<1000x8xf32>
    %dot_general3A = arith.constant dense<0.000000e+00> : vector<1000x128xf32>
    %dot_general3A_12 = tpu.matmul %get3A_11, %add3A, %dot_general3A {dimension_numbers = #tpu.dot_dimension_numbers<[1], [0], [0], [1], [0, 0, 1, 1], [], []>, transpose_lhs_hint = false} : vector<1000x8xf32>, vector<8x128xf32>, vector<1000x128xf32> -> vector<1000x128xf32>
    %get3A_13 = arith.constant 0 : index
    %get3A_14 = arith.constant 0 : index
    %get3A_15 = vector.load %arg3[%get3A_13, %get3A_14] : memref<1000x128xf32, #tpu.memory_space<vmem>>, vector<1000x128xf32>
    %mul3A = arith.mulf %dot_general3A_12, %get3A_15 : vector<1000x128xf32>
    %reduce_sum3A = arith.constant dense<0.000000e+00> : vector<1000xf32>
    %reduce_sum3A_16 = vector.multi_reduction <add>, %mul3A, %reduce_sum3A [1] : vector<1000x128xf32> to vector<1000xf32>
    %broadcast_in_dim3A = vector.shape_cast %reduce_sum3A_16 : vector<1000xf32> to vector<1000x1xf32>
    %add3A_17 = arith.constant 1.000000e+00 : f32
    %add3A_18 = vector.broadcast %add3A_17 : f32 to vector<1000x1xf32>
    %add3A_19 = arith.addf %broadcast_in_dim3A, %add3A_18 : vector<1000x1xf32>
    %rsqrt3A = math.rsqrt %add3A_19 : vector<1000x1xf32>
    %get3A_20 = arith.constant 0 : index
    %get3A_21 = arith.constant 0 : index
    %get3A_22 = arith.constant 0 : index
    %get3A_23 = vector.load %arg4[%get3A_20, %get3A_21, %get3A_22] : memref<2x1000x128xf32, #tpu.memory_space<vmem>>, vector<1x1000x128xf32>
    %get3A_24 = vector.shape_cast %get3A_23 : vector<1x1000x128xf32> to vector<1000x128xf32>
    %get3A_25 = arith.constant 1 : index
    %get3A_26 = arith.constant 0 : index
    %get3A_27 = arith.constant 0 : index
    %get3A_28 = vector.load %arg4[%get3A_25, %get3A_26, %get3A_27] : memref<2x1000x128xf32, #tpu.memory_space<vmem>>, vector<1x1000x128xf32>
    %get3A_29 = vector.shape_cast %get3A_28 : vector<1x1000x128xf32> to vector<1000x128xf32>
    %add3A_30 = arith.addf %get3A_24, %get3A_29 : vector<1000x128xf32>
    %get3A_31 = arith.constant 0 : index
    %get3A_32 = arith.constant 0 : index
    %get3A_33 = vector.load %arg5[%get3A_31, %get3A_32] : memref<1000x128xf32, #tpu.memory_space<vmem>>, vector<1000x128xf32>
    %add3A_34 = arith.addf %add3A_30, %get3A_33 : vector<1000x128xf32>
    %mul3A_35 = vector.broadcast %rsqrt3A : vector<1000x1xf32> to vector<1000x128xf32>
    %mul3A_36 = arith.mulf %add3A_34, %mul3A_35 : vector<1000x128xf32>
    %get3A_37 = arith.constant 0 : index
    %get3A_38 = arith.constant 0 : index
    %get3A_39 = vector.load %arg6[%get3A_37, %get3A_38] : memref<1x128xf32, #tpu.memory_space<vmem>>, vector<1x128xf32>
    %add3A_40 = vector.broadcast %get3A_39 : vector<1x128xf32> to vector<1000x128xf32>
    %add3A_41 = arith.addf %mul3A_36, %add3A_40 : vector<1000x128xf32>
    %max3A = arith.constant 0.000000e+00 : f32
    %max3A_42 = vector.broadcast %max3A : f32 to vector<1000x128xf32>
    %max3A_43 = arith.maximumf %add3A_41, %max3A_42 : vector<1000x128xf32>
    %swap3A = arith.constant 0 : index
    %swap3A_44 = arith.constant 0 : index
    %swap3A_45 = vector.load %arg7[%swap3A, %swap3A_44] : memref<1000x128xf32, #tpu.memory_space<vmem>>, vector<1000x128xf32>
    tpu.vector_store %arg7[%swap3A, %swap3A_44], %max3A_43 {strides = array<i32>} : memref<1000x128xf32, #tpu.memory_space<vmem>>, vector<1000x128xf32>,
    return
  }
  func.func @transform_0(%arg0: i32) -> (i32, i32, i32) {
    %c0_i32 = arith.constant 0 : i32
    %c0_i32_0 = arith.constant 0 : i32
    %c0_i32_1 = arith.constant 0 : i32
    return %c0_i32, %arg0, %c0_i32_0 : i32, i32, i32
  }
  func.func @transform_1(%arg0: i32) -> (i32, i32) {
    %c0_i32 = arith.constant 0 : i32
    %c0_i32_0 = arith.constant 0 : i32
    %c0_i32_1 = arith.constant 0 : i32
    return %c0_i32, %c0_i32_0 : i32, i32
  }
  func.func @transform_2(%arg0: i32) -> (i32, i32) {
    %c0_i32 = arith.constant 0 : i32
    %c0_i32_0 = arith.constant 0 : i32
    %c0_i32_1 = arith.constant 0 : i32
    return %c0_i32, %c0_i32_0 : i32, i32
  }
  func.func @transform_3(%arg0: i32) -> (i32, i32, i32) {
    %c0_i32 = arith.constant 0 : i32
    %c0_i32_0 = arith.constant 0 : i32
    %c0_i32_1 = arith.constant 0 : i32
    return %c0_i32, %arg0, %c0_i32_0 : i32, i32, i32
  }
  func.func @transform_4(%arg0: i32) -> (i32, i32) {
    %c0_i32 = arith.constant 0 : i32
    %c0_i32_0 = arith.constant 0 : i32
    return %arg0, %c0_i32 : i32, i32
  }
  func.func @transform_5(%arg0: i32) -> (i32, i32) {
    %c0_i32 = arith.constant 0 : i32
    %c0_i32_0 = arith.constant 0 : i32
    %c0_i32_1 = arith.constant 0 : i32
    return %c0_i32, %c0_i32_0 : i32, i32
  }
  func.func @transform_6(%arg0: i32) -> (i32, i32) {
    %c0_i32 = arith.constant 0 : i32
    %c0_i32_0 = arith.constant 0 : i32
    return %arg0, %c0_i32 : i32, i32
  }
}

</mosaic_0001>

<sc_bundles>
// kernel: kernel.11.cloned.1.call-start
scs
__scs_entry_jumppad:
0x0: {  	(pc) =	sbr.rel $0x88, $3  }
0x1: {  	(tag) =	ssettag $0x0;
	lr =	simm.s32 $0x1  }
0x2: {  	[smem:$0x3F9B] =	sst lr;
	_ =	strace $0xD0000000  }
0x3: {  	_ = 	snop  }
0x4: {  	_ = 	snop  }
0x5: {  	_ = 	snop  }
0x6: {  	_ = 	snop  }
0x7: {  	_ = 	snop  }
__scs_overlays_trampoline_lowered:
0x8: {  	[smem:$0x3FAA] =	sst s0  }
0x9: {  	[smem:$0x3FAB] =	sst s1  }
0xa: {  	[smem:$0x3FAC] =	sst s2  }
0xb: {  	[smem:$0x3FAD] =	sst s3  }
0xc: {  	[smem:$0x3FAE] =	sst s4  }
0xd: {  	[smem:$0x3FAF] =	sst s5  }
0xe: {  	[smem:$0x3FB0] =	sst s6  }
0xf: {  	[smem:$0x3FB1] =	sst s7  }
0x10: {  	[smem:$0x3FB2] =	sst s8  }
0x11: {  	[smem:$0x3FB3] =	sst s9;
	s0 =	simm.s32 @!p0 $0x0  }
0x12: {  	s1 =	sld [smem:$0x3F99];
	s0 =	simm.s32 @p0 $0x1  }
0x13: {  	[smem:$0x3FB4] =	sst s0;
	s0 =	simm.s32 @!p1 $0x0  }
0x14: {  	s2 =	sld [smem:$0x3F98];
	s0 =	simm.s32 @p1 $0x1  }
0x15: {  	[smem:$0x3FB5] =	sst s0;
	s0 =	simm.s32 @!p2 $0x0  }
0x16: {  	s3 =	sld [smem:$0x3FDB];
	s0 =	simm.s32 @p2 $0x1  }
0x17: {  	s4 =	simm.s32 $0x1BF5;
	[smem:$0x3FB7] =	sst s0  }
0x18: {  	s0 =	sld [smem:$0x3F9A];
	_ =	swait.ge [sflag:s4], $0x0  }
0x19: {  	s7 =	sld [smem:$0x3F9B]  }
0x1a: {  	s8 =	sadd.s32 $0xFFFFE003, lr  }
0x1b: {  	s9 =	sadd.s32 $0xFFFFFEF7, lr;
	s5 =	simm.s32 $0xFFFFFFFF;
	p2 =	slt.u32 s8, $0xFFFFF086  }
0x1c: {  	p1 =	slt.u32 s9, $0xF7A;
	s5 =	simm.s32 @!p2 $0x0  }
0x1d: {  	s5 =	simm.s32 @p1 $0x1;
	p0 =	seq.s32 s7, s2  }
0x1e: {  	s7 =	smul.u32 @!p0 $0xF7A, s2;
	p2 =	seq.s32 @!p0 s5, $0x0  }
0x1f: {  	s9 =	smul.u32 $0xF7A, s1;
	s8 =	simm.s32 @!p0 $0x1BF5;
	p2 =	por !p2, p0  }
0x20: {  	[sflag:s8] =	ssyncset.s32 @!p0 $0xFFFFF086;
	s6 =	sadd.s32 @!p0 s3, s7;
	s7 =	simm.s32 @!p0 $0x108  }
0x21: {  	s3 =	sadd.s32 s3, s9;
	s6 =	sadd.s32 @!p0 $0x88, s6;
	s7 =	simm.s32 @p2 $0x1082  }
0x22: {  	[simem:s7], [sflag:s8] =	dma.local @!p0 [hbm:s6], $0xF7A  }
0x23: {  	s9 =	sor.u32 $0xD0000000, s2;
	s6 =	simm.s32 $0x108;
	_ =	swait.ge @!p0 [sflag:s8], $0x0  }
0x24: {  	s3 =	sadd.s32 $0x88, s3;
	s6 =	simm.s32 @!p1 $0x1082;
	[sflag:s4] =	ssyncset.s32 $0xFFFFF086  }
0x25: {  	[simem:s6], [sflag:s4] =	dma.local [hbm:s3], $0xF7A  }
0x26: {  	[smem:$0x3F9B] =	sst s1;
	(tag) =	ssettag s2;
	_ =	strace s9  }
0x27: {  	s1 =	sld [smem:$0x3FAB]  }
0x28: {  	s2 =	sld [smem:$0x3FAC]  }
0x29: {  	s4 =	sld [smem:$0x3FAE]  }
0x2a: {  	p0 =	seq.s32 s5, $0x0;
	s5 =	sld [smem:$0x3FAF]  }
0x2b: {  	s6 =	sld [smem:$0x3FB0]  }
0x2c: {  	s7 =	sld [smem:$0x3FB1]  }
0x2d: {  	s3 =	simm.s32 $0x108;
	s8 =	sld [smem:$0x3FB2]  }
0x2e: {  	s3 =	simm.s32 @!p0 $0x1082;
	s9 =	sld [smem:$0x3FB3]  }
0x2f: {  	lr =	sadd.s32 s0, s3;
	s0 =	sld [smem:$0x3FAA]  }
0x30: {  	s3 =	sld [smem:$0x3FAD]  }
0x31: {  	[smem:$0x3FB6] =	sst s10  }
0x32: {  	s10 =	sld [smem:$0x3FB4];
	_ =	sdelay $0x3  }
0x33: {  	p0 =	seq.s32 s10, $0x1;
	s10 =	sld [smem:$0x3FB6];
	_ =	sdelay $0x3  }
0x34: {  	[smem:$0x3FB6] =	sst s10  }
0x35: {  	s10 =	sld [smem:$0x3FB5];
	_ =	sdelay $0x3  }
0x36: {  	p1 =	seq.s32 s10, $0x1;
	s10 =	sld [smem:$0x3FB6];
	_ =	sdelay $0x3  }
0x37: {  	[smem:$0x3FB6] =	sst s10  }
0x38: {  	s10 =	sld [smem:$0x3FB7]  }
0x39: {  	_ = 	snop;
	(pc) =	sbr.ind lr, $3  }
0x3a: {  	_ = 	snop  }
0x3b: {  	_ = 	snop  }
0x3c: {  	p2 =	seq.s32 s10, $0x1;
	s10 =	sld [smem:$0x3FB6]  }
0x3d: {  	_ =	shalt  }
0x3e: {  	_ =	shalt  }
0x3f: {  	_ =	shalt  }
0x40: {  	_ =	shalt  }
0x41: {  	_ =	shalt  }
0x42: {  	_ =	shalt  }
0x43: {  	_ =	shalt  }
0x44: {  	_ =	shalt  }
0x45: {  	_ =	shalt  }
0x46: {  	_ =	shalt  }
0x47: {  	_ =	shalt  }
0x48: {  	_ =	shalt  }
0x49: {  	_ =	shalt  }
0x4a: {  	_ =	shalt  }
0x4b: {  	_ =	shalt  }
0x4c: {  	_ =	shalt  }
0x4d: {  	_ =	shalt  }
0x4e: {  	_ =	shalt  }
0x4f: {  	_ =	shalt  }
0x50: {  	_ =	shalt  }
0x51: {  	_ =	shalt  }
0x52: {  	_ =	shalt  }
0x53: {  	_ =	shalt  }
0x54: {  	_ =	shalt  }
0x55: {  	_ =	shalt  }
0x56: {  	_ =	shalt  }
0x57: {  	_ =	shalt  }
0x58: {  	_ =	shalt  }
0x59: {  	_ =	shalt  }
0x5a: {  	_ =	shalt  }
0x5b: {  	_ =	shalt  }
0x5c: {  	_ =	shalt  }
0x5d: {  	_ =	shalt  }
0x5e: {  	_ =	shalt  }
0x5f: {  	_ =	shalt  }
0x60: {  	_ =	shalt  }
0x61: {  	_ =	shalt  }
0x62: {  	_ =	shalt  }
0x63: {  	_ =	shalt  }
0x64: {  	_ =	shalt  }
0x65: {  	_ =	shalt  }
0x66: {  	_ =	shalt  }
0x67: {  	_ =	shalt  }
0x68: {  	_ =	shalt  }
0x69: {  	_ =	shalt  }
0x6a: {  	_ =	shalt  }
0x6b: {  	_ =	shalt  }
0x6c: {  	_ =	shalt  }
0x6d: {  	_ =	shalt  }
0x6e: {  	_ =	shalt  }
0x6f: {  	_ =	shalt  }
0x70: {  	_ =	shalt  }
0x71: {  	_ =	shalt  }
0x72: {  	_ =	shalt  }
0x73: {  	_ =	shalt  }
0x74: {  	_ =	shalt  }
0x75: {  	_ =	shalt  }
0x76: {  	_ =	shalt  }
0x77: {  	_ =	shalt  }
0x78: {  	_ =	shalt  }
0x79: {  	_ =	shalt  }
0x7a: {  	_ =	shalt  }
0x7b: {  	_ =	shalt  }
0x7c: {  	_ =	shalt  }
0x7d: {  	_ =	shalt  }
0x7e: {  	_ =	shalt  }
0x7f: {  	_ =	shalt  }
0x80: {  	_ =	shalt  }
0x81: {  	_ =	shalt  }
0x82: {  	_ =	shalt  }
0x83: {  	_ =	shalt  }
0x84: {  	_ =	shalt  }
0x85: {  	_ =	shalt  }
0x86: {  	_ =	shalt  }
0x87: {  	_ =	shalt  }
.Lfunc_end0:
.L_simem_size_0:
called_computation.1_lowered:
.L_overlay_start_0:
0x88: {  	s2 =	sld [smem:$0x3FD9]  }
0x89: {  	s3 =	sld [smem:$0x3FFE];
	_ =	sdelay $0x1  }
0x8a: {  	s1 =	srdreg.scid  }
0x8b: {  	s0 =	sand.u32 $0x1, s1  }
0x8c: {  	s17 =	sshll.u32 s0, $0xA;
	s2 =	sadd.s32 s3, s2  }
0x8d: {  	s2 =	sadd.s32 s2, s17  }
0x8e: {  	[smem:$0x3FC2] =	sst s2  }
0x8f: {  	_ = 	snop  }
0x90: {  	s2 =	sld [smem:$0x3FD0];
	(tm) =	ssettm $0x1  }
0x91: {  	s18 =	sld [smem:$0x3FFB];
	_ =	sdelay $0x3  }
0x92: {  	_ =	strace s18  }
0x93: {  	s3 =	sld [smem:$0x3FFC];
	_ =	sdelay $0x3  }
0x94: {  	_ =	strace s3  }
0x95: {  	s3 =	sld [smem:$0x3FFD];
	_ =	sdelay $0x3  }
0x96: {  	_ =	strace s3  }
0x97: {  	_ =	strace $0x8FFFFFFF  }
0x98: {  	s19 =	sld [smem:$0x3FDB];
	_ =	sdelay $0x1  }
0x99: {  	s4 =	simm.s32 $_scs_section_size  }
0x9a: {  	s5 =	simm.s32 $_size__tile_overlayer_lowered;
	s6 =	simm.s32 $_tile_overlayer_lowered  }
0x9b: {  	s22 =	simm.s32 $0x1BFF;
	s21 =	sshll.u32 s6, $0x1;
	s3 =	sadd.s32 s4, s19  }
0x9c: {  	s7 =	simm.s32 $0x0;
	s20 =	sshll.u32 s5, $0x1;
	s5 =	sadd.s32 s21, s3  }
0x9d: {  	[timem:s7], [sflag:s22] =	dma.local [hbm:s5], s20  }
0x9e: {  	_ =	swait.ge [sflag:s22], s20  }
0x9f: {  	s4 =	ssub.s32 $0x0, s20;
	[sflag:s22] =	ssyncset.done $0x0  }
0xa0: {  	[sflag:s22] =	ssyncadd.s32 s4;
	_ =	sdelay $0x1  }
0xa1: {  	s23 =	simm.s32 $0x1B8B  }
0xa2: {  	_ =	swait.ge [sflag:s23], $0x1  }
0xa3: {  	[sflag:s23] =	ssyncset.done $0x0  }
0xa4: {  	s25 =	simm.s32 $0x1B8E;
	s24 =	sld [smem:$0x3FFE];
	[sflag:s23] =	ssyncadd.s32 $0xFFFFFFFF  }
0xa5: {  	s26 =	simm.s32 $execute0_lowered;
	[smem:$0x3FD2] =	sst s25  }
0xa6: {  	s5 =	sshll.u32 s26, $0x1;
	_ =	strace $0x80000049;
	[dreg:$0x1] =	wrdreg $0xFFFFFFFF  }
0xa7: {  	s28 =	simm.s32 $_size_execute0_lowered;
	s3 =	sadd.s32 s3, s5;
	[dreg:$0x0] =	wrdreg $0x0  }
0xa8: {  	s5 =	sshll.u32 s28, $0x1;
	[dreg:$0x2] =	wrdreg s3  }
0xa9: {  	[dreg:$0x3] =	wrdreg s5  }
0xaa: {  	[dreg:$0x4] =	wrdreg $0xC0  }
0xab: {  	_ =	task [dreg:s7], $0x5FFFF  }
0xac: {  	[dreg:$0x1] =	wrdreg $0xFFFFFFFF  }
0xad: {  	[dreg:$0x0] =	wrdreg $0x60  }
0xae: {  	[dreg:$0x2] =	wrdreg s2  }
0xaf: {  	[dreg:$0x3] =	wrdreg s24  }
0xb0: {  	[dreg:$0x4] =	wrdreg $0xA8000  }
0xb1: {  	[dreg:$0x5] =	wrdreg $0x9  }
0xb2: {  	_ =	task.clear_ibuf [dreg:s7], $0x6FFFF;
	_ =	strace $0x90000049  }
0xb3: {  	s29 =	simm.s32 $0x9;
	_ =	strace $0x8000004B  }
0xb4: {  	_ =	swait.ge [sflag:s29], $0x1  }
0xb5: {  	[sflag:s29] =	ssyncadd.s32 $0xFFFFFFFF  }
0xb6: {  	_ =	strace $0x9000004B  }
0xb7: {  	_ =	sfence  }
0xb8: {  	s30 =	sld [smem:$0x0];
	_ =	sdelay $0x2  }
0xb9: {  	s31 =	sshll.u32 s1, $0xD;
	s1 =	sshrl.u32 s1, $0x2  }
0xba: {  	s3 =	sand.u32 $0x4000, s31;
	s1 =	sadd.s32 s1, s30  }
0xbb: {  	s0 =	sor.u32 s3, s0;
	s1 =	sshll.u32 s1, $0x11  }
0xbc: {  	s0 =	sor.u32 s1, s0  }
0xbd: {  	s0 =	sadd.s32 $0x8F2B, s0  }
0xbe: {  	[sflag:s0] =	ssyncadd.remote.s32 $0x1  }
0xbf: {  	_ =	sfence.sel $0xFFFF  }
0xc0: {  	[dreg:$0x0] =	wrdreg $0xFFFFFFFF;
	(pc) =	sbr.abs _section_cstart, $3  }
0xc1: {  	[dreg:$0x1] =	wrdreg $0xFFFFFFFF  }
0xc2: {  	_ =	task.clear_ibuf [dreg:s7], $0x2FFFF;
	_ =	strace $0x9FFFFFFF  }
0xc3: {  	(tm) =	ssettm $0x7FFFFFFF  }
tec
execute0_lowered:
.L_overlay_start_1:
0x0: {  	(tag) =	ssettag $0x1  }
0x1: {  	s2 =	rddreg [dreg:$0x0]  }
0x2: {  	s5 =	rddreg [dreg:$0x1]  }
0x3: {  	s3 =	rddreg [dreg:$0x2]  }
0x4: {  	s0 =	rddreg [dreg:$0x3];
	s1 =	stileid.u32  }
0x5: {  	s6 =	srdreg.scid;
	s4 =	simm.s32 $0x0;
	s16 =	simm.s32 $0x80  }
0x6: {  	s17 =	simm.s32 $0x2800;
	s18 =	simm.s32 $0x6800;
	s19 =	simm.s32 $0x1  }
0x7: {  	s20 =	simm.s32 $0x2;
	s21 =	simm.s32 $0x2700;
	s22 =	simm.s32 $0x2780  }
0x8: {  	s23 =	simm.s32 $0x0;
	s7 =	smul.u32 $0x14000, s1;
	s6 =	sand.u32 $0x1, s6  }
0x9: {  	[smem:$0x7FF] =	sst s4;
	s9 =	sadd.s32 $0xCE00, s5;
	s25 =	smul.u32 $0x50000, s1  }
0xa: {  	s11 =	sadd.s32 $0x2E00, s5;
	s30 =	sshll.u32 s1, $0x6;
	s8 =	smul.u32 $0x140000, s6  }
0xb: {  	_ =	strace $0x8000004A;
	s12 =	sshll.u32 s6, $0x4;
	s26 =	ssub.s32 $0x2, s6  }
0xc: {  	s6 =	sor.u32 $0x1C03, s30;
	s10 =	sshrl.u32 s7, $0x3;
	s28 =	sor.u32 s1, s12  }
0xd: {  	s29 =	sshrl.u32 s26, $0x1;
	s10 =	sadd.s32 s10, s5;
	s7 =	sadd.s32 s7, s8  }
0xe: {  	s8 =	sshrl.u32 s25, $0x2;
	s12 =	smul.u32 $0x2800, s28;
	s7 =	sshrl.u32 s7, $0x3  }
0xf: {  	s14 =	ssub.s32 s26, s29;
	s15 =	sadd.s32 s8, s3;
	s13 =	sadd.s32 s7, s5  }
0x10: {  	s5 =	sadd.s32 $0x17000, s10;
	s31 =	sshrl.u32 s12, $0x3;
	s12 =	smax.u32 s14, $0x1  }
0x11: {  	s14 =	simm.s32 $0x3;
	s7 =	sadd.s32 s9, s31;
	s10 =	sadd.s32 $0x280, s31  }
0x12: {  	s8 =	sadd.s32 s11, s31;
	s9 =	sadd.s32 s9, s10;
	s10 =	sadd.s32 s11, s10  }
0x13: {  	s11 =	sadd.s32 $0x3F000, s13;
	s13 =	sshrl.u32 s15, $0x3;
	s15 =	simm.s32 $0x1400  }
.LBB2_1:
0x14: {  	[spmem:s13], [sflag:s6] =	dma.local [hbm:s5], $0x2800  }
0x15: {  	_ =	swait.ge [sflag:s14], $0x2800  }
0x16: {  	[sflag:s14] =	ssyncset.done $0x0  }
0x17: {  	[sflag:s14] =	ssyncadd.s32 $0xFFFFD800  }
0x18: {  	[bflag:$0x0] =	sbarrier.arrive $0xFFFF  }
0x19: {  	[tilespmem:s4], [sflag:$0x3] =	stream.linear.gather [hbm4b:s7+s4], $0x1400, $0x38;
	[tilespmem:$0x1E800] =	vst v63  }
0x1a: {  	_ =	swait.ge [sflag:s14], $0x1400  }
0x1b: {  	[sflag:s14] =	ssyncset.done $0x0  }
0x1c: {  	[sflag:s14] =	ssyncadd.s32 $0xFFFFEC00  }
0x1d: {  	[tilespmem:s15], [sflag:$0x3] =	stream.linear.gather [hbm4b:s8+s4], $0x1400, $0x38;
	[tilespmem:$0x1E800] =	vst v63  }
0x1e: {  	_ =	swait.ge [sflag:s14], $0x1400  }
0x1f: {  	[sflag:s14] =	ssyncset.done $0x0  }
0x20: {  	[sflag:s14] =	ssyncadd.s32 $0xFFFFEC00  }
0x21: {  	[tilespmem:s17], [sflag:$0x1] =	stream.indirect.gather [hbm4b:s2+s16], $0x80, s4, s16, $0xb8;
	[tilespmem:$0x1E800] =	vst v63  }
0x22: {  	_ = 	snop  }
0x23: {  	[tilespmem:s18], [sflag:$0x2] =	stream.indirect.gather [hbm4b:s2+s16], $0x80, s16, s16, $0xb8;
	[tilespmem:$0x1E800] =	vst v63  }
0x24: {  	_ =	swait.ge [sflag:s19], $0x4000  }
0x25: {  	[sflag:s19] =	ssyncset.done $0x0  }
0x26: {  	s24 =	simm.s32 $0x1400;
	[sflag:s19] =	ssyncadd.s32 $0xFFFFC000  }
0x27: {  	[spmem:s3] =	stream.indirect.scatter.add.f32 [tilespmem:s17], [sflag:$0x3], $0x80, s24, s16, $0xb8;
	[tilespmem:$0x1E800] =	vst v63  }
0x28: {  	_ =	swait.ge [sflag:s14], $0x4000  }
0x29: {  	[sflag:s14] =	ssyncset.done $0x0  }
0x2a: {  	s30 =	simm.s32 $0x100;
	[sflag:s14] =	ssyncadd.s32 $0xFFFFC000  }
0x2b: {  	[tilespmem:s17], [sflag:$0x1] =	stream.indirect.gather [hbm4b:s2+s16], $0x80, s30, s16, $0xb8;
	[tilespmem:$0x1E800] =	vst v63  }
0x2c: {  	_ =	swait.ge [sflag:s20], $0x4000  }
0x2d: {  	[sflag:s20] =	ssyncset.done $0x0  }
0x2e: {  	s31 =	simm.s32 $0x1480;
	[sflag:s20] =	ssyncadd.s32 $0xFFFFC000  }
0x2f: {  	[spmem:s3] =	stream.indirect.scatter.add.f32 [tilespmem:s18], [sflag:$0x3], $0x80, s31, s16, $0xb8;
	[tilespmem:$0x1E800] =	vst v63  }
0x30: {  	_ =	swait.ge [sflag:s14], $0x4000  }
0x31: {  	[sflag:s14] =	ssyncset.done $0x0  }
0x32: {  	s25 =	simm.s32 $0x180;
	s24 =	simm.s32 $0x400;
	[sflag:s14] =	ssyncadd.s32 $0xFFFFC000  }
.LBB2_2:
0x33: {  	[tilespmem:s18], [sflag:$0x2] =	stream.indirect.gather [hbm4b:s2+s16], $0x80, s25, s16, $0xb8;
	[tilespmem:$0x1E800] =	vst v63  }
0x34: {  	s25 =	smov.u32 s24  }
0x35: {  	p0 =	sne.s32 s24, $0x4800;
	s24 =	sadd.s32 $0x400, s24;
	_ =	swait.ge [sflag:s19], $0x4000  }
0x36: {  	s25 =	sshra.s32 s25, $0x2;
	[sflag:s19] =	ssyncset.done $0x0  }
0x37: {  	s26 =	sadd.s32 $0x1400, s25;
	[sflag:s19] =	ssyncadd.s32 $0xFFFFC000  }
0x38: {  	[spmem:s3] =	stream.indirect.scatter.add.f32 [tilespmem:s17], [sflag:$0x3], $0x80, s26, s16, $0xb8;
	[tilespmem:$0x1E800] =	vst v63  }
0x39: {  	_ =	swait.ge [sflag:s14], $0x4000  }
0x3a: {  	[sflag:s14] =	ssyncset.done $0x0  }
0x3b: {  	s26 =	sadd.s32 $0x100, s25;
	[sflag:s14] =	ssyncadd.s32 $0xFFFFC000  }
0x3c: {  	[tilespmem:s17], [sflag:$0x1] =	stream.indirect.gather [hbm4b:s2+s16], $0x80, s26, s16, $0xb8;
	[tilespmem:$0x1E800] =	vst v63  }
0x3d: {  	_ =	swait.ge [sflag:s20], $0x4000  }
0x3e: {  	[sflag:s20] =	ssyncset.done $0x0  }
.Ltmp0:
0x3f: {  	s26 =	sadd.s32 $0x1480, s25;
	[sflag:s20] =	ssyncadd.s32 $0xFFFFC000;
	(pc) =	sbr.rel @p0 .LBB2_2-.Ltmp0, $4  }
0x40: {  	[spmem:s3] =	stream.indirect.scatter.add.f32 [tilespmem:s18], [sflag:$0x3], $0x80, s26, s16, $0xb8;
	[tilespmem:$0x1E800] =	vst v63  }
0x41: {  	_ =	swait.ge [sflag:s14], $0x4000  }
0x42: {  	[sflag:s14] =	ssyncset.done $0x0  }
0x43: {  	s25 =	sadd.s32 $0x180, s25;
	[sflag:s14] =	ssyncadd.s32 $0xFFFFC000  }
0x44: {  	[tilespmem:s18], [sflag:$0x2] =	stream.indirect.gather [hbm4b:s2+s16], $0x80, s25, s16, $0xb8;
	[tilespmem:$0x1E800] =	vst v63  }
0x45: {  	_ =	swait.ge [sflag:s19], $0x4000  }
0x46: {  	[sflag:s19] =	ssyncset.done $0x0  }
0x47: {  	[sflag:s19] =	ssyncadd.s32 $0xFFFFC000  }
0x48: {  	[spmem:s3] =	stream.indirect.scatter.add.f32 [tilespmem:s17], [sflag:$0x3], $0x80, s21, s16, $0xb8;
	[tilespmem:$0x1E800] =	vst v63  }
0x49: {  	_ =	swait.ge [sflag:s14], $0x4000  }
0x4a: {  	[sflag:s14] =	ssyncset.done $0x0  }
0x4b: {  	[sflag:s14] =	ssyncadd.s32 $0xFFFFC000  }
0x4c: {  	_ =	swait.ge [sflag:s20], $0x4000  }
0x4d: {  	[sflag:s20] =	ssyncset.done $0x0  }
0x4e: {  	[sflag:s20] =	ssyncadd.s32 $0xFFFFC000  }
0x4f: {  	[spmem:s3] =	stream.indirect.scatter.add.f32 [tilespmem:s18], [sflag:$0x3], $0x80, s22, s16, $0xb8;
	[tilespmem:$0x1E800] =	vst v63  }
0x50: {  	_ =	swait.ge [sflag:s14], $0x4000  }
0x51: {  	[sflag:s14] =	ssyncset.done $0x0  }
0x52: {  	s24 =	simm.s32 $0x0;
	[sflag:s14] =	ssyncadd.s32 $0xFFFFC000  }
0x53: {  	[tilespmem:s24], [sflag:$0x3] =	stream.linear.gather [hbm4b:s9+s24], $0x1400, $0x38;
	[tilespmem:$0x1E800] =	vst v63  }
0x54: {  	_ =	swait.ge [sflag:s14], $0x1400  }
0x55: {  	[sflag:s14] =	ssyncset.done $0x0  }
0x56: {  	[sflag:s14] =	ssyncadd.s32 $0xFFFFEC00  }
0x57: {  	[tilespmem:s15], [sflag:$0x3] =	stream.linear.gather [hbm4b:s10+s24], $0x1400, $0x38;
	[tilespmem:$0x1E800] =	vst v63  }
0x58: {  	_ =	swait.ge [sflag:s14], $0x1400  }
0x59: {  	[sflag:s14] =	ssyncset.done $0x0  }
0x5a: {  	[sflag:s14] =	ssyncadd.s32 $0xFFFFEC00  }
0x5b: {  	[tilespmem:s17], [sflag:$0x1] =	stream.indirect.gather [hbm4b:s2+s16], $0x80, s24, s16, $0xb8;
	[tilespmem:$0x1E800] =	vst v63  }
0x5c: {  	_ = 	snop  }
0x5d: {  	[tilespmem:s18], [sflag:$0x2] =	stream.indirect.gather [hbm4b:s2+s16], $0x80, s16, s16, $0xb8;
	[tilespmem:$0x1E800] =	vst v63  }
0x5e: {  	_ =	swait.ge [sflag:s19], $0x4000  }
0x5f: {  	[sflag:s19] =	ssyncset.done $0x0  }
0x60: {  	s29 =	simm.s32 $0x1400;
	[sflag:s19] =	ssyncadd.s32 $0xFFFFC000  }
0x61: {  	[spmem:s3] =	stream.indirect.scatter.add.f32 [tilespmem:s17], [sflag:$0x3], $0x80, s29, s16, $0xb8;
	[tilespmem:$0x1E800] =	vst v63  }
0x62: {  	_ =	swait.ge [sflag:s14], $0x4000  }
0x63: {  	[sflag:s14] =	ssyncset.done $0x0  }
0x64: {  	s30 =	simm.s32 $0x100;
	[sflag:s14] =	ssyncadd.s32 $0xFFFFC000  }
0x65: {  	[tilespmem:s17], [sflag:$0x1] =	stream.indirect.gather [hbm4b:s2+s16], $0x80, s30, s16, $0xb8;
	[tilespmem:$0x1E800] =	vst v63  }
0x66: {  	_ =	swait.ge [sflag:s20], $0x4000  }
0x67: {  	[sflag:s20] =	ssyncset.done $0x0  }
0x68: {  	s31 =	simm.s32 $0x1480;
	[sflag:s20] =	ssyncadd.s32 $0xFFFFC000  }
0x69: {  	[spmem:s3] =	stream.indirect.scatter.add.f32 [tilespmem:s18], [sflag:$0x3], $0x80, s31, s16, $0xb8;
	[tilespmem:$0x1E800] =	vst v63  }
0x6a: {  	_ =	swait.ge [sflag:s14], $0x4000  }
0x6b: {  	[sflag:s14] =	ssyncset.done $0x0  }
0x6c: {  	s25 =	simm.s32 $0x180;
	s24 =	simm.s32 $0x400;
	[sflag:s14] =	ssyncadd.s32 $0xFFFFC000  }
.LBB2_4:
0x6d: {  	[tilespmem:s18], [sflag:$0x2] =	stream.indirect.gather [hbm4b:s2+s16], $0x80, s25, s16, $0xb8;
	[tilespmem:$0x1E800] =	vst v63  }
0x6e: {  	s25 =	smov.u32 s24  }
0x6f: {  	p0 =	sne.s32 s24, $0x4800;
	s24 =	sadd.s32 $0x400, s24;
	_ =	swait.ge [sflag:s19], $0x4000  }
0x70: {  	s25 =	sshra.s32 s25, $0x2;
	[sflag:s19] =	ssyncset.done $0x0  }
0x71: {  	s26 =	sadd.s32 $0x1400, s25;
	[sflag:s19] =	ssyncadd.s32 $0xFFFFC000  }
0x72: {  	[spmem:s3] =	stream.indirect.scatter.add.f32 [tilespmem:s17], [sflag:$0x3], $0x80, s26, s16, $0xb8;
	[tilespmem:$0x1E800] =	vst v63  }
0x73: {  	_ =	swait.ge [sflag:s14], $0x4000  }
0x74: {  	[sflag:s14] =	ssyncset.done $0x0  }
0x75: {  	s26 =	sadd.s32 $0x100, s25;
	[sflag:s14] =	ssyncadd.s32 $0xFFFFC000  }
0x76: {  	[tilespmem:s17], [sflag:$0x1] =	stream.indirect.gather [hbm4b:s2+s16], $0x80, s26, s16, $0xb8;
	[tilespmem:$0x1E800] =	vst v63  }
0x77: {  	_ =	swait.ge [sflag:s20], $0x4000  }
0x78: {  	[sflag:s20] =	ssyncset.done $0x0  }
.Ltmp1:
0x79: {  	s26 =	sadd.s32 $0x1480, s25;
	[sflag:s20] =	ssyncadd.s32 $0xFFFFC000;
	(pc) =	sbr.rel @p0 .LBB2_4-.Ltmp1, $4  }
0x7a: {  	[spmem:s3] =	stream.indirect.scatter.add.f32 [tilespmem:s18], [sflag:$0x3], $0x80, s26, s16, $0xb8;
	[tilespmem:$0x1E800] =	vst v63  }
0x7b: {  	_ =	swait.ge [sflag:s14], $0x4000  }
0x7c: {  	[sflag:s14] =	ssyncset.done $0x0  }
0x7d: {  	s25 =	sadd.s32 $0x180, s25;
	[sflag:s14] =	ssyncadd.s32 $0xFFFFC000  }
0x7e: {  	[tilespmem:s18], [sflag:$0x2] =	stream.indirect.gather [hbm4b:s2+s16], $0x80, s25, s16, $0xb8;
	[tilespmem:$0x1E800] =	vst v63  }
0x7f: {  	_ =	swait.ge [sflag:s19], $0x4000  }
0x80: {  	[sflag:s19] =	ssyncset.done $0x0  }
0x81: {  	[sflag:s19] =	ssyncadd.s32 $0xFFFFC000  }
0x82: {  	[spmem:s3] =	stream.indirect.scatter.add.f32 [tilespmem:s17], [sflag:$0x3], $0x80, s21, s16, $0xb8;
	[tilespmem:$0x1E800] =	vst v63  }
0x83: {  	_ =	swait.ge [sflag:s14], $0x4000  }
0x84: {  	[sflag:s14] =	ssyncset.done $0x0  }
0x85: {  	[sflag:s14] =	ssyncadd.s32 $0xFFFFC000  }
0x86: {  	_ =	swait.ge [sflag:s20], $0x4000  }
0x87: {  	[sflag:s20] =	ssyncset.done $0x0  }
0x88: {  	[sflag:s20] =	ssyncadd.s32 $0xFFFFC000  }
0x89: {  	[spmem:s3] =	stream.indirect.scatter.add.f32 [tilespmem:s18], [sflag:$0x3], $0x80, s22, s16, $0xb8;
	[tilespmem:$0x1E800] =	vst v63  }
0x8a: {  	_ =	swait.ge [sflag:s14], $0x4000  }
0x8b: {  	s23 =	sadd.s32 $0x1, s23;
	[sflag:s14] =	ssyncset.done $0x0  }
0x8c: {  	p0 =	sne.s32 s23, s12;
	[sflag:s14] =	ssyncadd.s32 $0xFFFFC000  }
.Ltmp2:
0x8d: {  	[bflag:$0x0] =	sbarrier.arrive $0xFFFF;
	(pc) =	sbr.rel @p0 .LBB2_1-.Ltmp2, $4  }
0x8e: {  	[hbm:s11], [sflag:s6] =	dma.local [spmem:s13], $0x2800  }
0x8f: {  	_ =	swait.ge [sflag:s14], $0x2800  }
0x90: {  	[sflag:s14] =	ssyncset.done $0x0  }
0x91: {  	[sflag:s14] =	ssyncadd.s32 $0xFFFFD800  }
0x92: {  	_ =	sfence.sel $0x180000  }
0x93: {  	[bflag:$0x0] =	sbarrier.arrive $0xFFFF  }
0x94: {  	p0 =	sne.s32 s1, $0x0;
	_ =	strace $0x9000004A  }
0x95: {  	s0 =	sadd.s32 @!p0 $0x100000, s0;
	[bflag:$0x2] =	sbarrier.arrive $0xFFFF  }
0x96: {  	[sflag:s0] =	ssyncadd.tile.s32 @!p0 $0x1;
	_ =	shalt  }
.Lfunc_end2:
_tile_overlayer_lowered:
.L_overlay_start_2:
0x97: {  	(tag) =	ssettag $0x2  }
0x98: {  	s0 =	rddreg [dreg:$0x0];
	s2 =	stileid.u32  }
0x99: {  	s1 =	rddreg [dreg:$0x1];
	p0 =	sne.s32 s2, $0x0  }
0x9a: {  	s3 =	rddreg [dreg:$0x2];
	[bflag:$0x3] =	sbarrier.arrive $0xFFFF;
	s2 =	simm.s32 @!p0 $0x1C03  }
0x9b: {  	[timem:s3], [sflag:s2] =	dma.local @!p0 [hbm:s0], s1  }
0x9c: {  	s0 =	simm.s32 @!p0 $0x3  }
0x9d: {  	_ =	swait.ge @!p0 [sflag:s0], s1  }
0x9e: {  	s1 =	ssub.s32 @!p0 $0x0, s1;
	[sflag:s0] =	ssyncset.done @!p0 $0x0  }
0x9f: {  	[sflag:s0] =	ssyncadd.s32 @!p0 s1  }
0xa0: {  	[bflag:$0x3] =	sbarrier.arrive $0xFFFF  }
0xa1: {  	_ =	shalt  }

// kernel: kernel.14.cloned.1.call-start
scs
__scs_entry_jumppad:
0x0: {  	(pc) =	sbr.rel $0x88, $3  }
0x1: {  	(tag) =	ssettag $0x0;
	lr =	simm.s32 $0x1  }
0x2: {  	[smem:$0x3F9B] =	sst lr;
	_ =	strace $0xD0000000  }
0x3: {  	_ = 	snop  }
0x4: {  	_ = 	snop  }
0x5: {  	_ = 	snop  }
0x6: {  	_ = 	snop  }
0x7: {  	_ = 	snop  }
__scs_overlays_trampoline_lowered:
0x8: {  	[smem:$0x3FAA] =	sst s0  }
0x9: {  	[smem:$0x3FAB] =	sst s1  }
0xa: {  	[smem:$0x3FAC] =	sst s2  }
0xb: {  	[smem:$0x3FAD] =	sst s3  }
0xc: {  	[smem:$0x3FAE] =	sst s4  }
0xd: {  	[smem:$0x3FAF] =	sst s5  }
0xe: {  	[smem:$0x3FB0] =	sst s6  }
0xf: {  	[smem:$0x3FB1] =	sst s7  }
0x10: {  	[smem:$0x3FB2] =	sst s8  }
0x11: {  	[smem:$0x3FB3] =	sst s9;
	s0 =	simm.s32 @!p0 $0x0  }
0x12: {  	s1 =	sld [smem:$0x3F99];
	s0 =	simm.s32 @p0 $0x1  }
0x13: {  	[smem:$0x3FB4] =	sst s0;
	s0 =	simm.s32 @!p1 $0x0  }
0x14: {  	s2 =	sld [smem:$0x3F98];
	s0 =	simm.s32 @p1 $0x1  }
0x15: {  	[smem:$0x3FB5] =	sst s0;
	s0 =	simm.s32 @!p2 $0x0  }
0x16: {  	s3 =	sld [smem:$0x3FDB];
	s0 =	simm.s32 @p2 $0x1  }
0x17: {  	s4 =	simm.s32 $0x1BF5;
	[smem:$0x3FB7] =	sst s0  }
0x18: {  	s0 =	sld [smem:$0x3F9A];
	_ =	swait.ge [sflag:s4], $0x0  }
0x19: {  	s7 =	sld [smem:$0x3F9B]  }
0x1a: {  	s8 =	sadd.s32 $0xFFFFE003, lr  }
0x1b: {  	s9 =	sadd.s32 $0xFFFFFEF7, lr;
	s5 =	simm.s32 $0xFFFFFFFF;
	p2 =	slt.u32 s8, $0xFFFFF086  }
0x1c: {  	p1 =	slt.u32 s9, $0xF7A;
	s5 =	simm.s32 @!p2 $0x0  }
0x1d: {  	s5 =	simm.s32 @p1 $0x1;
	p0 =	seq.s32 s7, s2  }
0x1e: {  	s7 =	smul.u32 @!p0 $0xF7A, s2;
	p2 =	seq.s32 @!p0 s5, $0x0  }
0x1f: {  	s9 =	smul.u32 $0xF7A, s1;
	s8 =	simm.s32 @!p0 $0x1BF5;
	p2 =	por !p2, p0  }
0x20: {  	[sflag:s8] =	ssyncset.s32 @!p0 $0xFFFFF086;
	s6 =	sadd.s32 @!p0 s3, s7;
	s7 =	simm.s32 @!p0 $0x108  }
0x21: {  	s3 =	sadd.s32 s3, s9;
	s6 =	sadd.s32 @!p0 $0x88, s6;
	s7 =	simm.s32 @p2 $0x1082  }
0x22: {  	[simem:s7], [sflag:s8] =	dma.local @!p0 [hbm:s6], $0xF7A  }
0x23: {  	s9 =	sor.u32 $0xD0000000, s2;
	s6 =	simm.s32 $0x108;
	_ =	swait.ge @!p0 [sflag:s8], $0x0  }
0x24: {  	s3 =	sadd.s32 $0x88, s3;
	s6 =	simm.s32 @!p1 $0x1082;
	[sflag:s4] =	ssyncset.s32 $0xFFFFF086  }
0x25: {  	[simem:s6], [sflag:s4] =	dma.local [hbm:s3], $0xF7A  }
0x26: {  	[smem:$0x3F9B] =	sst s1;
	(tag) =	ssettag s2;
	_ =	strace s9  }
0x27: {  	s1 =	sld [smem:$0x3FAB]  }
0x28: {  	s2 =	sld [smem:$0x3FAC]  }
0x29: {  	s4 =	sld [smem:$0x3FAE]  }
0x2a: {  	p0 =	seq.s32 s5, $0x0;
	s5 =	sld [smem:$0x3FAF]  }
0x2b: {  	s6 =	sld [smem:$0x3FB0]  }
0x2c: {  	s7 =	sld [smem:$0x3FB1]  }
0x2d: {  	s3 =	simm.s32 $0x108;
	s8 =	sld [smem:$0x3FB2]  }
0x2e: {  	s3 =	simm.s32 @!p0 $0x1082;
	s9 =	sld [smem:$0x3FB3]  }
0x2f: {  	lr =	sadd.s32 s0, s3;
	s0 =	sld [smem:$0x3FAA]  }
0x30: {  	s3 =	sld [smem:$0x3FAD]  }
0x31: {  	[smem:$0x3FB6] =	sst s10  }
0x32: {  	s10 =	sld [smem:$0x3FB4];
	_ =	sdelay $0x3  }
0x33: {  	p0 =	seq.s32 s10, $0x1;
	s10 =	sld [smem:$0x3FB6];
	_ =	sdelay $0x3  }
0x34: {  	[smem:$0x3FB6] =	sst s10  }
0x35: {  	s10 =	sld [smem:$0x3FB5];
	_ =	sdelay $0x3  }
0x36: {  	p1 =	seq.s32 s10, $0x1;
	s10 =	sld [smem:$0x3FB6];
	_ =	sdelay $0x3  }
0x37: {  	[smem:$0x3FB6] =	sst s10  }
0x38: {  	s10 =	sld [smem:$0x3FB7]  }
0x39: {  	_ = 	snop;
	(pc) =	sbr.ind lr, $3  }
0x3a: {  	_ = 	snop  }
0x3b: {  	_ = 	snop  }
0x3c: {  	p2 =	seq.s32 s10, $0x1;
	s10 =	sld [smem:$0x3FB6]  }
0x3d: {  	_ =	shalt  }
0x3e: {  	_ =	shalt  }
0x3f: {  	_ =	shalt  }
0x40: {  	_ =	shalt  }
0x41: {  	_ =	shalt  }
0x42: {  	_ =	shalt  }
0x43: {  	_ =	shalt  }
0x44: {  	_ =	shalt  }
0x45: {  	_ =	shalt  }
0x46: {  	_ =	shalt  }
0x47: {  	_ =	shalt  }
0x48: {  	_ =	shalt  }
0x49: {  	_ =	shalt  }
0x4a: {  	_ =	shalt  }
0x4b: {  	_ =	shalt  }
0x4c: {  	_ =	shalt  }
0x4d: {  	_ =	shalt  }
0x4e: {  	_ =	shalt  }
0x4f: {  	_ =	shalt  }
0x50: {  	_ =	shalt  }
0x51: {  	_ =	shalt  }
0x52: {  	_ =	shalt  }
0x53: {  	_ =	shalt  }
0x54: {  	_ =	shalt  }
0x55: {  	_ =	shalt  }
0x56: {  	_ =	shalt  }
0x57: {  	_ =	shalt  }
0x58: {  	_ =	shalt  }
0x59: {  	_ =	shalt  }
0x5a: {  	_ =	shalt  }
0x5b: {  	_ =	shalt  }
0x5c: {  	_ =	shalt  }
0x5d: {  	_ =	shalt  }
0x5e: {  	_ =	shalt  }
0x5f: {  	_ =	shalt  }
0x60: {  	_ =	shalt  }
0x61: {  	_ =	shalt  }
0x62: {  	_ =	shalt  }
0x63: {  	_ =	shalt  }
0x64: {  	_ =	shalt  }
0x65: {  	_ =	shalt  }
0x66: {  	_ =	shalt  }
0x67: {  	_ =	shalt  }
0x68: {  	_ =	shalt  }
0x69: {  	_ =	shalt  }
0x6a: {  	_ =	shalt  }
0x6b: {  	_ =	shalt  }
0x6c: {  	_ =	shalt  }
0x6d: {  	_ =	shalt  }
0x6e: {  	_ =	shalt  }
0x6f: {  	_ =	shalt  }
0x70: {  	_ =	shalt  }
0x71: {  	_ =	shalt  }
0x72: {  	_ =	shalt  }
0x73: {  	_ =	shalt  }
0x74: {  	_ =	shalt  }
0x75: {  	_ =	shalt  }
0x76: {  	_ =	shalt  }
0x77: {  	_ =	shalt  }
0x78: {  	_ =	shalt  }
0x79: {  	_ =	shalt  }
0x7a: {  	_ =	shalt  }
0x7b: {  	_ =	shalt  }
0x7c: {  	_ =	shalt  }
0x7d: {  	_ =	shalt  }
0x7e: {  	_ =	shalt  }
0x7f: {  	_ =	shalt  }
0x80: {  	_ =	shalt  }
0x81: {  	_ =	shalt  }
0x82: {  	_ =	shalt  }
0x83: {  	_ =	shalt  }
0x84: {  	_ =	shalt  }
0x85: {  	_ =	shalt  }
0x86: {  	_ =	shalt  }
0x87: {  	_ =	shalt  }
.Lfunc_end0:
.L_simem_size_0:
called_computation.2_lowered:
.L_overlay_start_0:
0x88: {  	s2 =	sld [smem:$0x3FD9]  }
0x89: {  	s3 =	sld [smem:$0x3FFE];
	_ =	sdelay $0x1  }
0x8a: {  	s1 =	srdreg.scid  }
0x8b: {  	s0 =	sand.u32 $0x1, s1  }
0x8c: {  	s17 =	sshll.u32 s0, $0xA;
	s2 =	sadd.s32 s3, s2  }
0x8d: {  	s2 =	sadd.s32 s2, s17  }
0x8e: {  	[smem:$0x3FC2] =	sst s2  }
0x8f: {  	_ = 	snop  }
0x90: {  	s2 =	sld [smem:$0x3FD0];
	(tm) =	ssettm $0x1  }
0x91: {  	s18 =	sld [smem:$0x3FFB];
	_ =	sdelay $0x3  }
0x92: {  	_ =	strace s18  }
0x93: {  	s3 =	sld [smem:$0x3FFC];
	_ =	sdelay $0x3  }
0x94: {  	_ =	strace s3  }
0x95: {  	s3 =	sld [smem:$0x3FFD];
	_ =	sdelay $0x3  }
0x96: {  	_ =	strace s3  }
0x97: {  	_ =	strace $0x8FFFFFFF  }
0x98: {  	s19 =	sld [smem:$0x3FDB];
	_ =	sdelay $0x1  }
0x99: {  	s4 =	simm.s32 $_scs_section_size  }
0x9a: {  	s5 =	simm.s32 $_size__tile_overlayer_lowered;
	s6 =	simm.s32 $_tile_overlayer_lowered  }
0x9b: {  	s22 =	simm.s32 $0x1BFF;
	s21 =	sshll.u32 s6, $0x1;
	s3 =	sadd.s32 s4, s19  }
0x9c: {  	s7 =	simm.s32 $0x0;
	s20 =	sshll.u32 s5, $0x1;
	s5 =	sadd.s32 s21, s3  }
0x9d: {  	[timem:s7], [sflag:s22] =	dma.local [hbm:s5], s20  }
0x9e: {  	_ =	swait.ge [sflag:s22], s20  }
0x9f: {  	s4 =	ssub.s32 $0x0, s20;
	[sflag:s22] =	ssyncset.done $0x0  }
0xa0: {  	[sflag:s22] =	ssyncadd.s32 s4;
	_ =	sdelay $0x1  }
0xa1: {  	s23 =	simm.s32 $0x1B8B  }
0xa2: {  	_ =	swait.ge [sflag:s23], $0x1  }
0xa3: {  	[sflag:s23] =	ssyncset.done $0x0  }
0xa4: {  	s25 =	simm.s32 $0x1B8E;
	s24 =	sld [smem:$0x3FFE];
	[sflag:s23] =	ssyncadd.s32 $0xFFFFFFFF  }
0xa5: {  	s26 =	simm.s32 $execute0_lowered;
	[smem:$0x3FD2] =	sst s25  }
0xa6: {  	s5 =	sshll.u32 s26, $0x1;
	_ =	strace $0x8000004C;
	[dreg:$0x1] =	wrdreg $0xFFFFFFFF  }
0xa7: {  	s28 =	simm.s32 $_size_execute0_lowered;
	s3 =	sadd.s32 s3, s5;
	[dreg:$0x0] =	wrdreg $0x0  }
0xa8: {  	s5 =	sshll.u32 s28, $0x1;
	[dreg:$0x2] =	wrdreg s3  }
0xa9: {  	[dreg:$0x3] =	wrdreg s5  }
0xaa: {  	[dreg:$0x4] =	wrdreg $0xC0  }
0xab: {  	_ =	task [dreg:s7], $0x5FFFF  }
0xac: {  	[dreg:$0x1] =	wrdreg $0xFFFFFFFF  }
0xad: {  	[dreg:$0x0] =	wrdreg $0x60  }
0xae: {  	[dreg:$0x2] =	wrdreg s2  }
0xaf: {  	[dreg:$0x3] =	wrdreg s24  }
0xb0: {  	[dreg:$0x4] =	wrdreg $0xA8000  }
0xb1: {  	[dreg:$0x5] =	wrdreg $0x9  }
0xb2: {  	_ =	task.clear_ibuf [dreg:s7], $0x6FFFF;
	_ =	strace $0x9000004C  }
0xb3: {  	s29 =	simm.s32 $0x9;
	_ =	strace $0x8000004E  }
0xb4: {  	_ =	swait.ge [sflag:s29], $0x1  }
0xb5: {  	[sflag:s29] =	ssyncadd.s32 $0xFFFFFFFF  }
0xb6: {  	_ =	strace $0x9000004E  }
0xb7: {  	_ =	sfence  }
0xb8: {  	s30 =	sld [smem:$0x0];
	_ =	sdelay $0x2  }
0xb9: {  	s31 =	sshll.u32 s1, $0xD;
	s1 =	sshrl.u32 s1, $0x2  }
0xba: {  	s3 =	sand.u32 $0x4000, s31;
	s1 =	sadd.s32 s1, s30  }
0xbb: {  	s0 =	sor.u32 s3, s0;
	s1 =	sshll.u32 s1, $0x11  }
0xbc: {  	s0 =	sor.u32 s1, s0  }
0xbd: {  	s0 =	sadd.s32 $0x8F2B, s0  }
0xbe: {  	[sflag:s0] =	ssyncadd.remote.s32 $0x1  }
0xbf: {  	_ =	sfence.sel $0xFFFF  }
0xc0: {  	[dreg:$0x0] =	wrdreg $0xFFFFFFFF;
	(pc) =	sbr.abs _section_cstart, $3  }
0xc1: {  	[dreg:$0x1] =	wrdreg $0xFFFFFFFF  }
0xc2: {  	_ =	task.clear_ibuf [dreg:s7], $0x2FFFF;
	_ =	strace $0x9FFFFFFF  }
0xc3: {  	(tm) =	ssettm $0x7FFFFFFF  }
tec
execute0_lowered:
.L_overlay_start_1:
0x0: {  	(tag) =	ssettag $0x1  }
0x1: {  	s2 =	rddreg [dreg:$0x0]  }
0x2: {  	s5 =	rddreg [dreg:$0x1]  }
0x3: {  	s3 =	rddreg [dreg:$0x2]  }
0x4: {  	s0 =	rddreg [dreg:$0x3];
	s1 =	stileid.u32  }
0x5: {  	s6 =	srdreg.scid;
	s4 =	simm.s32 $0x0;
	s16 =	simm.s32 $0x80  }
0x6: {  	s17 =	simm.s32 $0x2800;
	s18 =	simm.s32 $0x6800;
	s19 =	simm.s32 $0x1  }
0x7: {  	s20 =	simm.s32 $0x2;
	s21 =	simm.s32 $0x2700;
	s22 =	simm.s32 $0x2780  }
0x8: {  	s23 =	simm.s32 $0x0;
	s7 =	smul.u32 $0x14000, s1;
	s6 =	sand.u32 $0x1, s6  }
0x9: {  	[smem:$0x7FF] =	sst s4;
	s9 =	sadd.s32 $0xCE00, s5;
	s25 =	smul.u32 $0x50000, s1  }
0xa: {  	s11 =	sadd.s32 $0x2E00, s5;
	s30 =	sshll.u32 s1, $0x6;
	s8 =	smul.u32 $0x140000, s6  }
0xb: {  	_ =	strace $0x8000004D;
	s12 =	sshll.u32 s6, $0x4;
	s26 =	ssub.s32 $0x2, s6  }
0xc: {  	s6 =	sor.u32 $0x1C03, s30;
	s10 =	sshrl.u32 s7, $0x3;
	s28 =	sor.u32 s1, s12  }
0xd: {  	s29 =	sshrl.u32 s26, $0x1;
	s10 =	sadd.s32 s10, s5;
	s7 =	sadd.s32 s7, s8  }
0xe: {  	s8 =	sshrl.u32 s25, $0x2;
	s12 =	smul.u32 $0x2800, s28;
	s7 =	sshrl.u32 s7, $0x3  }
0xf: {  	s14 =	ssub.s32 s26, s29;
	s15 =	sadd.s32 s8, s3;
	s13 =	sadd.s32 s7, s5  }
0x10: {  	s5 =	sadd.s32 $0x17000, s10;
	s31 =	sshrl.u32 s12, $0x3;
	s12 =	smax.u32 s14, $0x1  }
0x11: {  	s14 =	simm.s32 $0x3;
	s7 =	sadd.s32 s9, s31;
	s10 =	sadd.s32 $0x280, s31  }
0x12: {  	s8 =	sadd.s32 s11, s31;
	s9 =	sadd.s32 s9, s10;
	s10 =	sadd.s32 s11, s10  }
0x13: {  	s11 =	sadd.s32 $0x3F000, s13;
	s13 =	sshrl.u32 s15, $0x3;
	s15 =	simm.s32 $0x1400  }
.LBB2_1:
0x14: {  	[spmem:s13], [sflag:s6] =	dma.local [hbm:s5], $0x2800  }
0x15: {  	_ =	swait.ge [sflag:s14], $0x2800  }
0x16: {  	[sflag:s14] =	ssyncset.done $0x0  }
0x17: {  	[sflag:s14] =	ssyncadd.s32 $0xFFFFD800  }
0x18: {  	[bflag:$0x0] =	sbarrier.arrive $0xFFFF  }
0x19: {  	[tilespmem:s4], [sflag:$0x3] =	stream.linear.gather [hbm4b:s7+s4], $0x1400, $0x38;
	[tilespmem:$0x1E800] =	vst v63  }
0x1a: {  	_ =	swait.ge [sflag:s14], $0x1400  }
0x1b: {  	[sflag:s14] =	ssyncset.done $0x0  }
0x1c: {  	[sflag:s14] =	ssyncadd.s32 $0xFFFFEC00  }
0x1d: {  	[tilespmem:s15], [sflag:$0x3] =	stream.linear.gather [hbm4b:s8+s4], $0x1400, $0x38;
	[tilespmem:$0x1E800] =	vst v63  }
0x1e: {  	_ =	swait.ge [sflag:s14], $0x1400  }
0x1f: {  	[sflag:s14] =	ssyncset.done $0x0  }
0x20: {  	[sflag:s14] =	ssyncadd.s32 $0xFFFFEC00  }
0x21: {  	[tilespmem:s17], [sflag:$0x1] =	stream.indirect.gather [hbm4b:s2+s16], $0x80, s4, s16, $0xb8;
	[tilespmem:$0x1E800] =	vst v63  }
0x22: {  	_ = 	snop  }
0x23: {  	[tilespmem:s18], [sflag:$0x2] =	stream.indirect.gather [hbm4b:s2+s16], $0x80, s16, s16, $0xb8;
	[tilespmem:$0x1E800] =	vst v63  }
0x24: {  	_ =	swait.ge [sflag:s19], $0x4000  }
0x25: {  	[sflag:s19] =	ssyncset.done $0x0  }
0x26: {  	s24 =	simm.s32 $0x1400;
	[sflag:s19] =	ssyncadd.s32 $0xFFFFC000  }
0x27: {  	[spmem:s3] =	stream.indirect.scatter.add.f32 [tilespmem:s17], [sflag:$0x3], $0x80, s24, s16, $0xb8;
	[tilespmem:$0x1E800] =	vst v63  }
0x28: {  	_ =	swait.ge [sflag:s14], $0x4000  }
0x29: {  	[sflag:s14] =	ssyncset.done $0x0  }
0x2a: {  	s30 =	simm.s32 $0x100;
	[sflag:s14] =	ssyncadd.s32 $0xFFFFC000  }
0x2b: {  	[tilespmem:s17], [sflag:$0x1] =	stream.indirect.gather [hbm4b:s2+s16], $0x80, s30, s16, $0xb8;
	[tilespmem:$0x1E800] =	vst v63  }
0x2c: {  	_ =	swait.ge [sflag:s20], $0x4000  }
0x2d: {  	[sflag:s20] =	ssyncset.done $0x0  }
0x2e: {  	s31 =	simm.s32 $0x1480;
	[sflag:s20] =	ssyncadd.s32 $0xFFFFC000  }
0x2f: {  	[spmem:s3] =	stream.indirect.scatter.add.f32 [tilespmem:s18], [sflag:$0x3], $0x80, s31, s16, $0xb8;
	[tilespmem:$0x1E800] =	vst v63  }
0x30: {  	_ =	swait.ge [sflag:s14], $0x4000  }
0x31: {  	[sflag:s14] =	ssyncset.done $0x0  }
0x32: {  	s25 =	simm.s32 $0x180;
	s24 =	simm.s32 $0x400;
	[sflag:s14] =	ssyncadd.s32 $0xFFFFC000  }
.LBB2_2:
0x33: {  	[tilespmem:s18], [sflag:$0x2] =	stream.indirect.gather [hbm4b:s2+s16], $0x80, s25, s16, $0xb8;
	[tilespmem:$0x1E800] =	vst v63  }
0x34: {  	s25 =	smov.u32 s24  }
0x35: {  	p0 =	sne.s32 s24, $0x4800;
	s24 =	sadd.s32 $0x400, s24;
	_ =	swait.ge [sflag:s19], $0x4000  }
0x36: {  	s25 =	sshra.s32 s25, $0x2;
	[sflag:s19] =	ssyncset.done $0x0  }
0x37: {  	s26 =	sadd.s32 $0x1400, s25;
	[sflag:s19] =	ssyncadd.s32 $0xFFFFC000  }
0x38: {  	[spmem:s3] =	stream.indirect.scatter.add.f32 [tilespmem:s17], [sflag:$0x3], $0x80, s26, s16, $0xb8;
	[tilespmem:$0x1E800] =	vst v63  }
0x39: {  	_ =	swait.ge [sflag:s14], $0x4000  }
0x3a: {  	[sflag:s14] =	ssyncset.done $0x0  }
0x3b: {  	s26 =	sadd.s32 $0x100, s25;
	[sflag:s14] =	ssyncadd.s32 $0xFFFFC000  }
0x3c: {  	[tilespmem:s17], [sflag:$0x1] =	stream.indirect.gather [hbm4b:s2+s16], $0x80, s26, s16, $0xb8;
	[tilespmem:$0x1E800] =	vst v63  }
0x3d: {  	_ =	swait.ge [sflag:s20], $0x4000  }
0x3e: {  	[sflag:s20] =	ssyncset.done $0x0  }
.Ltmp0:
0x3f: {  	s26 =	sadd.s32 $0x1480, s25;
	[sflag:s20] =	ssyncadd.s32 $0xFFFFC000;
	(pc) =	sbr.rel @p0 .LBB2_2-.Ltmp0, $4  }
0x40: {  	[spmem:s3] =	stream.indirect.scatter.add.f32 [tilespmem:s18], [sflag:$0x3], $0x80, s26, s16, $0xb8;
	[tilespmem:$0x1E800] =	vst v63  }
0x41: {  	_ =	swait.ge [sflag:s14], $0x4000  }
0x42: {  	[sflag:s14] =	ssyncset.done $0x0  }
0x43: {  	s25 =	sadd.s32 $0x180, s25;
	[sflag:s14] =	ssyncadd.s32 $0xFFFFC000  }
0x44: {  	[tilespmem:s18], [sflag:$0x2] =	stream.indirect.gather [hbm4b:s2+s16], $0x80, s25, s16, $0xb8;
	[tilespmem:$0x1E800] =	vst v63  }
0x45: {  	_ =	swait.ge [sflag:s19], $0x4000  }
0x46: {  	[sflag:s19] =	ssyncset.done $0x0  }
0x47: {  	[sflag:s19] =	ssyncadd.s32 $0xFFFFC000  }
0x48: {  	[spmem:s3] =	stream.indirect.scatter.add.f32 [tilespmem:s17], [sflag:$0x3], $0x80, s21, s16, $0xb8;
	[tilespmem:$0x1E800] =	vst v63  }
0x49: {  	_ =	swait.ge [sflag:s14], $0x4000  }
0x4a: {  	[sflag:s14] =	ssyncset.done $0x0  }
0x4b: {  	[sflag:s14] =	ssyncadd.s32 $0xFFFFC000  }
0x4c: {  	_ =	swait.ge [sflag:s20], $0x4000  }
0x4d: {  	[sflag:s20] =	ssyncset.done $0x0  }
0x4e: {  	[sflag:s20] =	ssyncadd.s32 $0xFFFFC000  }
0x4f: {  	[spmem:s3] =	stream.indirect.scatter.add.f32 [tilespmem:s18], [sflag:$0x3], $0x80, s22, s16, $0xb8;
	[tilespmem:$0x1E800] =	vst v63  }
0x50: {  	_ =	swait.ge [sflag:s14], $0x4000  }
0x51: {  	[sflag:s14] =	ssyncset.done $0x0  }
0x52: {  	s24 =	simm.s32 $0x0;
	[sflag:s14] =	ssyncadd.s32 $0xFFFFC000  }
0x53: {  	[tilespmem:s24], [sflag:$0x3] =	stream.linear.gather [hbm4b:s9+s24], $0x1400, $0x38;
	[tilespmem:$0x1E800] =	vst v63  }
0x54: {  	_ =	swait.ge [sflag:s14], $0x1400  }
0x55: {  	[sflag:s14] =	ssyncset.done $0x0  }
0x56: {  	[sflag:s14] =	ssyncadd.s32 $0xFFFFEC00  }
0x57: {  	[tilespmem:s15], [sflag:$0x3] =	stream.linear.gather [hbm4b:s10+s24], $0x1400, $0x38;
	[tilespmem:$0x1E800] =	vst v63  }
0x58: {  	_ =	swait.ge [sflag:s14], $0x1400  }
0x59: {  	[sflag:s14] =	ssyncset.done $0x0  }
0x5a: {  	[sflag:s14] =	ssyncadd.s32 $0xFFFFEC00  }
0x5b: {  	[tilespmem:s17], [sflag:$0x1] =	stream.indirect.gather [hbm4b:s2+s16], $0x80, s24, s16, $0xb8;
	[tilespmem:$0x1E800] =	vst v63  }
0x5c: {  	_ = 	snop  }
0x5d: {  	[tilespmem:s18], [sflag:$0x2] =	stream.indirect.gather [hbm4b:s2+s16], $0x80, s16, s16, $0xb8;
	[tilespmem:$0x1E800] =	vst v63  }
0x5e: {  	_ =	swait.ge [sflag:s19], $0x4000  }
0x5f: {  	[sflag:s19] =	ssyncset.done $0x0  }
0x60: {  	s29 =	simm.s32 $0x1400;
	[sflag:s19] =	ssyncadd.s32 $0xFFFFC000  }
0x61: {  	[spmem:s3] =	stream.indirect.scatter.add.f32 [tilespmem:s17], [sflag:$0x3], $0x80, s29, s16, $0xb8;
	[tilespmem:$0x1E800] =	vst v63  }
0x62: {  	_ =	swait.ge [sflag:s14], $0x4000  }
0x63: {  	[sflag:s14] =	ssyncset.done $0x0  }
0x64: {  	s30 =	simm.s32 $0x100;
	[sflag:s14] =	ssyncadd.s32 $0xFFFFC000  }
0x65: {  	[tilespmem:s17], [sflag:$0x1] =	stream.indirect.gather [hbm4b:s2+s16], $0x80, s30, s16, $0xb8;
	[tilespmem:$0x1E800] =	vst v63  }
0x66: {  	_ =	swait.ge [sflag:s20], $0x4000  }
0x67: {  	[sflag:s20] =	ssyncset.done $0x0  }
0x68: {  	s31 =	simm.s32 $0x1480;
	[sflag:s20] =	ssyncadd.s32 $0xFFFFC000  }
0x69: {  	[spmem:s3] =	stream.indirect.scatter.add.f32 [tilespmem:s18], [sflag:$0x3], $0x80, s31, s16, $0xb8;
	[tilespmem:$0x1E800] =	vst v63  }
0x6a: {  	_ =	swait.ge [sflag:s14], $0x4000  }
0x6b: {  	[sflag:s14] =	ssyncset.done $0x0  }
0x6c: {  	s25 =	simm.s32 $0x180;
	s24 =	simm.s32 $0x400;
	[sflag:s14] =	ssyncadd.s32 $0xFFFFC000  }
.LBB2_4:
0x6d: {  	[tilespmem:s18], [sflag:$0x2] =	stream.indirect.gather [hbm4b:s2+s16], $0x80, s25, s16, $0xb8;
	[tilespmem:$0x1E800] =	vst v63  }
0x6e: {  	s25 =	smov.u32 s24  }
0x6f: {  	p0 =	sne.s32 s24, $0x4800;
	s24 =	sadd.s32 $0x400, s24;
	_ =	swait.ge [sflag:s19], $0x4000  }
0x70: {  	s25 =	sshra.s32 s25, $0x2;
	[sflag:s19] =	ssyncset.done $0x0  }
0x71: {  	s26 =	sadd.s32 $0x1400, s25;
	[sflag:s19] =	ssyncadd.s32 $0xFFFFC000  }
0x72: {  	[spmem:s3] =	stream.indirect.scatter.add.f32 [tilespmem:s17], [sflag:$0x3], $0x80, s26, s16, $0xb8;
	[tilespmem:$0x1E800] =	vst v63  }
0x73: {  	_ =	swait.ge [sflag:s14], $0x4000  }
0x74: {  	[sflag:s14] =	ssyncset.done $0x0  }
0x75: {  	s26 =	sadd.s32 $0x100, s25;
	[sflag:s14] =	ssyncadd.s32 $0xFFFFC000  }
0x76: {  	[tilespmem:s17], [sflag:$0x1] =	stream.indirect.gather [hbm4b:s2+s16], $0x80, s26, s16, $0xb8;
	[tilespmem:$0x1E800] =	vst v63  }
0x77: {  	_ =	swait.ge [sflag:s20], $0x4000  }
0x78: {  	[sflag:s20] =	ssyncset.done $0x0  }
.Ltmp1:
0x79: {  	s26 =	sadd.s32 $0x1480, s25;
	[sflag:s20] =	ssyncadd.s32 $0xFFFFC000;
	(pc) =	sbr.rel @p0 .LBB2_4-.Ltmp1, $4  }
0x7a: {  	[spmem:s3] =	stream.indirect.scatter.add.f32 [tilespmem:s18], [sflag:$0x3], $0x80, s26, s16, $0xb8;
	[tilespmem:$0x1E800] =	vst v63  }
0x7b: {  	_ =	swait.ge [sflag:s14], $0x4000  }
0x7c: {  	[sflag:s14] =	ssyncset.done $0x0  }
0x7d: {  	s25 =	sadd.s32 $0x180, s25;
	[sflag:s14] =	ssyncadd.s32 $0xFFFFC000  }
0x7e: {  	[tilespmem:s18], [sflag:$0x2] =	stream.indirect.gather [hbm4b:s2+s16], $0x80, s25, s16, $0xb8;
	[tilespmem:$0x1E800] =	vst v63  }
0x7f: {  	_ =	swait.ge [sflag:s19], $0x4000  }
0x80: {  	[sflag:s19] =	ssyncset.done $0x0  }
0x81: {  	[sflag:s19] =	ssyncadd.s32 $0xFFFFC000  }
0x82: {  	[spmem:s3] =	stream.indirect.scatter.add.f32 [tilespmem:s17], [sflag:$0x3], $0x80, s21, s16, $0xb8;
	[tilespmem:$0x1E800] =	vst v63  }
0x83: {  	_ =	swait.ge [sflag:s14], $0x4000  }
0x84: {  	[sflag:s14] =	ssyncset.done $0x0  }
0x85: {  	[sflag:s14] =	ssyncadd.s32 $0xFFFFC000  }
0x86: {  	_ =	swait.ge [sflag:s20], $0x4000  }
0x87: {  	[sflag:s20] =	ssyncset.done $0x0  }
0x88: {  	[sflag:s20] =	ssyncadd.s32 $0xFFFFC000  }
0x89: {  	[spmem:s3] =	stream.indirect.scatter.add.f32 [tilespmem:s18], [sflag:$0x3], $0x80, s22, s16, $0xb8;
	[tilespmem:$0x1E800] =	vst v63  }
0x8a: {  	_ =	swait.ge [sflag:s14], $0x4000  }
0x8b: {  	s23 =	sadd.s32 $0x1, s23;
	[sflag:s14] =	ssyncset.done $0x0  }
0x8c: {  	p0 =	sne.s32 s23, s12;
	[sflag:s14] =	ssyncadd.s32 $0xFFFFC000  }
.Ltmp2:
0x8d: {  	[bflag:$0x0] =	sbarrier.arrive $0xFFFF;
	(pc) =	sbr.rel @p0 .LBB2_1-.Ltmp2, $4  }
0x8e: {  	[hbm:s11], [sflag:s6] =	dma.local [spmem:s13], $0x2800  }
0x8f: {  	_ =	swait.ge [sflag:s14], $0x2800  }
0x90: {  	[sflag:s14] =	ssyncset.done $0x0  }
0x91: {  	[sflag:s14] =	ssyncadd.s32 $0xFFFFD800  }
0x92: {  	_ =	sfence.sel $0x180000  }
0x93: {  	[bflag:$0x0] =	sbarrier.arrive $0xFFFF  }
0x94: {  	p0 =	sne.s32 s1, $0x0;
	_ =	strace $0x9000004D  }
0x95: {  	s0 =	sadd.s32 @!p0 $0x100000, s0;
	[bflag:$0x2] =	sbarrier.arrive $0xFFFF  }
0x96: {  	[sflag:s0] =	ssyncadd.tile.s32 @!p0 $0x1;
	_ =	shalt  }
.Lfunc_end2:
_tile_overlayer_lowered:
.L_overlay_start_2:
0x97: {  	(tag) =	ssettag $0x2  }
0x98: {  	s0 =	rddreg [dreg:$0x0];
	s2 =	stileid.u32  }
0x99: {  	s1 =	rddreg [dreg:$0x1];
	p0 =	sne.s32 s2, $0x0  }
0x9a: {  	s3 =	rddreg [dreg:$0x2];
	[bflag:$0x3] =	sbarrier.arrive $0xFFFF;
	s2 =	simm.s32 @!p0 $0x1C03  }
0x9b: {  	[timem:s3], [sflag:s2] =	dma.local @!p0 [hbm:s0], s1  }
0x9c: {  	s0 =	simm.s32 @!p0 $0x3  }
0x9d: {  	_ =	swait.ge @!p0 [sflag:s0], s1  }
0x9e: {  	s1 =	ssub.s32 @!p0 $0x0, s1;
	[sflag:s0] =	ssyncset.done @!p0 $0x0  }
0x9f: {  	[sflag:s0] =	ssyncadd.s32 @!p0 s1  }
0xa0: {  	[bflag:$0x3] =	sbarrier.arrive $0xFFFF  }
0xa1: {  	_ =	shalt  }

// kernel: kernel.8.cloned.1.call-start
scs
__scs_entry_jumppad:
0x0: {  	(pc) =	sbr.rel $0x88, $3  }
0x1: {  	(tag) =	ssettag $0x0;
	lr =	simm.s32 $0x1  }
0x2: {  	[smem:$0x3F9B] =	sst lr;
	_ =	strace $0xD0000000  }
0x3: {  	_ = 	snop  }
0x4: {  	_ = 	snop  }
0x5: {  	_ = 	snop  }
0x6: {  	_ = 	snop  }
0x7: {  	_ = 	snop  }
__scs_overlays_trampoline_lowered:
0x8: {  	[smem:$0x3FAA] =	sst s0  }
0x9: {  	[smem:$0x3FAB] =	sst s1  }
0xa: {  	[smem:$0x3FAC] =	sst s2  }
0xb: {  	[smem:$0x3FAD] =	sst s3  }
0xc: {  	[smem:$0x3FAE] =	sst s4  }
0xd: {  	[smem:$0x3FAF] =	sst s5  }
0xe: {  	[smem:$0x3FB0] =	sst s6  }
0xf: {  	[smem:$0x3FB1] =	sst s7  }
0x10: {  	[smem:$0x3FB2] =	sst s8  }
0x11: {  	[smem:$0x3FB3] =	sst s9;
	s0 =	simm.s32 @!p0 $0x0  }
0x12: {  	s1 =	sld [smem:$0x3F99];
	s0 =	simm.s32 @p0 $0x1  }
0x13: {  	[smem:$0x3FB4] =	sst s0;
	s0 =	simm.s32 @!p1 $0x0  }
0x14: {  	s2 =	sld [smem:$0x3F98];
	s0 =	simm.s32 @p1 $0x1  }
0x15: {  	[smem:$0x3FB5] =	sst s0;
	s0 =	simm.s32 @!p2 $0x0  }
0x16: {  	s3 =	sld [smem:$0x3FDB];
	s0 =	simm.s32 @p2 $0x1  }
0x17: {  	s4 =	simm.s32 $0x1BF5;
	[smem:$0x3FB7] =	sst s0  }
0x18: {  	s0 =	sld [smem:$0x3F9A];
	_ =	swait.ge [sflag:s4], $0x0  }
0x19: {  	s7 =	sld [smem:$0x3F9B]  }
0x1a: {  	s8 =	sadd.s32 $0xFFFFE003, lr  }
0x1b: {  	s9 =	sadd.s32 $0xFFFFFEF7, lr;
	s5 =	simm.s32 $0xFFFFFFFF;
	p2 =	slt.u32 s8, $0xFFFFF086  }
0x1c: {  	p1 =	slt.u32 s9, $0xF7A;
	s5 =	simm.s32 @!p2 $0x0  }
0x1d: {  	s5 =	simm.s32 @p1 $0x1;
	p0 =	seq.s32 s7, s2  }
0x1e: {  	s7 =	smul.u32 @!p0 $0xF7A, s2;
	p2 =	seq.s32 @!p0 s5, $0x0  }
0x1f: {  	s9 =	smul.u32 $0xF7A, s1;
	s8 =	simm.s32 @!p0 $0x1BF5;
	p2 =	por !p2, p0  }
0x20: {  	[sflag:s8] =	ssyncset.s32 @!p0 $0xFFFFF086;
	s6 =	sadd.s32 @!p0 s3, s7;
	s7 =	simm.s32 @!p0 $0x108  }
0x21: {  	s3 =	sadd.s32 s3, s9;
	s6 =	sadd.s32 @!p0 $0x88, s6;
	s7 =	simm.s32 @p2 $0x1082  }
0x22: {  	[simem:s7], [sflag:s8] =	dma.local @!p0 [hbm:s6], $0xF7A  }
0x23: {  	s9 =	sor.u32 $0xD0000000, s2;
	s6 =	simm.s32 $0x108;
	_ =	swait.ge @!p0 [sflag:s8], $0x0  }
0x24: {  	s3 =	sadd.s32 $0x88, s3;
	s6 =	simm.s32 @!p1 $0x1082;
	[sflag:s4] =	ssyncset.s32 $0xFFFFF086  }
0x25: {  	[simem:s6], [sflag:s4] =	dma.local [hbm:s3], $0xF7A  }
0x26: {  	[smem:$0x3F9B] =	sst s1;
	(tag) =	ssettag s2;
	_ =	strace s9  }
0x27: {  	s1 =	sld [smem:$0x3FAB]  }
0x28: {  	s2 =	sld [smem:$0x3FAC]  }
0x29: {  	s4 =	sld [smem:$0x3FAE]  }
0x2a: {  	p0 =	seq.s32 s5, $0x0;
	s5 =	sld [smem:$0x3FAF]  }
0x2b: {  	s6 =	sld [smem:$0x3FB0]  }
0x2c: {  	s7 =	sld [smem:$0x3FB1]  }
0x2d: {  	s3 =	simm.s32 $0x108;
	s8 =	sld [smem:$0x3FB2]  }
0x2e: {  	s3 =	simm.s32 @!p0 $0x1082;
	s9 =	sld [smem:$0x3FB3]  }
0x2f: {  	lr =	sadd.s32 s0, s3;
	s0 =	sld [smem:$0x3FAA]  }
0x30: {  	s3 =	sld [smem:$0x3FAD]  }
0x31: {  	[smem:$0x3FB6] =	sst s10  }
0x32: {  	s10 =	sld [smem:$0x3FB4];
	_ =	sdelay $0x3  }
0x33: {  	p0 =	seq.s32 s10, $0x1;
	s10 =	sld [smem:$0x3FB6];
	_ =	sdelay $0x3  }
0x34: {  	[smem:$0x3FB6] =	sst s10  }
0x35: {  	s10 =	sld [smem:$0x3FB5];
	_ =	sdelay $0x3  }
0x36: {  	p1 =	seq.s32 s10, $0x1;
	s10 =	sld [smem:$0x3FB6];
	_ =	sdelay $0x3  }
0x37: {  	[smem:$0x3FB6] =	sst s10  }
0x38: {  	s10 =	sld [smem:$0x3FB7]  }
0x39: {  	_ = 	snop;
	(pc) =	sbr.ind lr, $3  }
0x3a: {  	_ = 	snop  }
0x3b: {  	_ = 	snop  }
0x3c: {  	p2 =	seq.s32 s10, $0x1;
	s10 =	sld [smem:$0x3FB6]  }
0x3d: {  	_ =	shalt  }
0x3e: {  	_ =	shalt  }
0x3f: {  	_ =	shalt  }
0x40: {  	_ =	shalt  }
0x41: {  	_ =	shalt  }
0x42: {  	_ =	shalt  }
0x43: {  	_ =	shalt  }
0x44: {  	_ =	shalt  }
0x45: {  	_ =	shalt  }
0x46: {  	_ =	shalt  }
0x47: {  	_ =	shalt  }
0x48: {  	_ =	shalt  }
0x49: {  	_ =	shalt  }
0x4a: {  	_ =	shalt  }
0x4b: {  	_ =	shalt  }
0x4c: {  	_ =	shalt  }
0x4d: {  	_ =	shalt  }
0x4e: {  	_ =	shalt  }
0x4f: {  	_ =	shalt  }
0x50: {  	_ =	shalt  }
0x51: {  	_ =	shalt  }
0x52: {  	_ =	shalt  }
0x53: {  	_ =	shalt  }
0x54: {  	_ =	shalt  }
0x55: {  	_ =	shalt  }
0x56: {  	_ =	shalt  }
0x57: {  	_ =	shalt  }
0x58: {  	_ =	shalt  }
0x59: {  	_ =	shalt  }
0x5a: {  	_ =	shalt  }
0x5b: {  	_ =	shalt  }
0x5c: {  	_ =	shalt  }
0x5d: {  	_ =	shalt  }
0x5e: {  	_ =	shalt  }
0x5f: {  	_ =	shalt  }
0x60: {  	_ =	shalt  }
0x61: {  	_ =	shalt  }
0x62: {  	_ =	shalt  }
0x63: {  	_ =	shalt  }
0x64: {  	_ =	shalt  }
0x65: {  	_ =	shalt  }
0x66: {  	_ =	shalt  }
0x67: {  	_ =	shalt  }
0x68: {  	_ =	shalt  }
0x69: {  	_ =	shalt  }
0x6a: {  	_ =	shalt  }
0x6b: {  	_ =	shalt  }
0x6c: {  	_ =	shalt  }
0x6d: {  	_ =	shalt  }
0x6e: {  	_ =	shalt  }
0x6f: {  	_ =	shalt  }
0x70: {  	_ =	shalt  }
0x71: {  	_ =	shalt  }
0x72: {  	_ =	shalt  }
0x73: {  	_ =	shalt  }
0x74: {  	_ =	shalt  }
0x75: {  	_ =	shalt  }
0x76: {  	_ =	shalt  }
0x77: {  	_ =	shalt  }
0x78: {  	_ =	shalt  }
0x79: {  	_ =	shalt  }
0x7a: {  	_ =	shalt  }
0x7b: {  	_ =	shalt  }
0x7c: {  	_ =	shalt  }
0x7d: {  	_ =	shalt  }
0x7e: {  	_ =	shalt  }
0x7f: {  	_ =	shalt  }
0x80: {  	_ =	shalt  }
0x81: {  	_ =	shalt  }
0x82: {  	_ =	shalt  }
0x83: {  	_ =	shalt  }
0x84: {  	_ =	shalt  }
0x85: {  	_ =	shalt  }
0x86: {  	_ =	shalt  }
0x87: {  	_ =	shalt  }
.Lfunc_end0:
.L_simem_size_0:
called_computation_lowered:
.L_overlay_start_0:
0x88: {  	s2 =	sld [smem:$0x3FD9]  }
0x89: {  	s3 =	sld [smem:$0x3FFE];
	_ =	sdelay $0x1  }
0x8a: {  	s1 =	srdreg.scid  }
0x8b: {  	s0 =	sand.u32 $0x1, s1  }
0x8c: {  	s17 =	sshll.u32 s0, $0xA;
	s2 =	sadd.s32 s3, s2  }
0x8d: {  	s2 =	sadd.s32 s2, s17  }
0x8e: {  	[smem:$0x3FC2] =	sst s2  }
0x8f: {  	_ = 	snop  }
0x90: {  	s2 =	sld [smem:$0x3FD0];
	(tm) =	ssettm $0x1  }
0x91: {  	s18 =	sld [smem:$0x3FFB];
	_ =	sdelay $0x3  }
0x92: {  	_ =	strace s18  }
0x93: {  	s3 =	sld [smem:$0x3FFC];
	_ =	sdelay $0x3  }
0x94: {  	_ =	strace s3  }
0x95: {  	s3 =	sld [smem:$0x3FFD];
	_ =	sdelay $0x3  }
0x96: {  	_ =	strace s3  }
0x97: {  	_ =	strace $0x8FFFFFFF  }
0x98: {  	s19 =	sld [smem:$0x3FDB];
	_ =	sdelay $0x1  }
0x99: {  	s4 =	simm.s32 $_scs_section_size  }
0x9a: {  	s5 =	simm.s32 $_size__tile_overlayer_lowered;
	s6 =	simm.s32 $_tile_overlayer_lowered  }
0x9b: {  	s22 =	simm.s32 $0x1BFF;
	s21 =	sshll.u32 s6, $0x1;
	s3 =	sadd.s32 s4, s19  }
0x9c: {  	s7 =	simm.s32 $0x0;
	s20 =	sshll.u32 s5, $0x1;
	s5 =	sadd.s32 s21, s3  }
0x9d: {  	[timem:s7], [sflag:s22] =	dma.local [hbm:s5], s20  }
0x9e: {  	_ =	swait.ge [sflag:s22], s20  }
0x9f: {  	s4 =	ssub.s32 $0x0, s20;
	[sflag:s22] =	ssyncset.done $0x0  }
0xa0: {  	[sflag:s22] =	ssyncadd.s32 s4;
	_ =	sdelay $0x1  }
0xa1: {  	s23 =	simm.s32 $0x1B8B  }
0xa2: {  	_ =	swait.ge [sflag:s23], $0x1  }
0xa3: {  	[sflag:s23] =	ssyncset.done $0x0  }
0xa4: {  	s25 =	simm.s32 $0x1B8E;
	s24 =	sld [smem:$0x3FFE];
	[sflag:s23] =	ssyncadd.s32 $0xFFFFFFFF  }
0xa5: {  	s26 =	simm.s32 $execute0_lowered;
	[smem:$0x3FD2] =	sst s25  }
0xa6: {  	s5 =	sshll.u32 s26, $0x1;
	_ =	strace $0x80000046;
	[dreg:$0x1] =	wrdreg $0xFFFFFFFF  }
0xa7: {  	s28 =	simm.s32 $_size_execute0_lowered;
	s3 =	sadd.s32 s3, s5;
	[dreg:$0x0] =	wrdreg $0x0  }
0xa8: {  	s5 =	sshll.u32 s28, $0x1;
	[dreg:$0x2] =	wrdreg s3  }
0xa9: {  	[dreg:$0x3] =	wrdreg s5  }
0xaa: {  	[dreg:$0x4] =	wrdreg $0xC0  }
0xab: {  	_ =	task [dreg:s7], $0x5FFFF  }
0xac: {  	[dreg:$0x1] =	wrdreg $0xFFFFFFFF  }
0xad: {  	[dreg:$0x0] =	wrdreg $0x60  }
0xae: {  	[dreg:$0x2] =	wrdreg s24  }
0xaf: {  	[dreg:$0x3] =	wrdreg s2  }
0xb0: {  	[dreg:$0x4] =	wrdreg $0x68800  }
0xb1: {  	[dreg:$0x5] =	wrdreg $0x9  }
0xb2: {  	_ =	task.clear_ibuf [dreg:s7], $0x6FFFF;
	_ =	strace $0x90000046  }
0xb3: {  	s29 =	simm.s32 $0x9;
	_ =	strace $0x80000048  }
0xb4: {  	_ =	swait.ge [sflag:s29], $0x1  }
0xb5: {  	[sflag:s29] =	ssyncadd.s32 $0xFFFFFFFF  }
0xb6: {  	_ =	strace $0x90000048  }
0xb7: {  	_ =	sfence  }
0xb8: {  	s30 =	sld [smem:$0x0];
	_ =	sdelay $0x2  }
0xb9: {  	s31 =	sshll.u32 s1, $0xD;
	s1 =	sshrl.u32 s1, $0x2  }
0xba: {  	s3 =	sand.u32 $0x4000, s31;
	s1 =	sadd.s32 s1, s30  }
0xbb: {  	s0 =	sor.u32 s3, s0;
	s1 =	sshll.u32 s1, $0x11  }
0xbc: {  	s0 =	sor.u32 s1, s0  }
0xbd: {  	s0 =	sadd.s32 $0x8F2B, s0  }
0xbe: {  	[sflag:s0] =	ssyncadd.remote.s32 $0x1  }
0xbf: {  	_ =	sfence.sel $0xFFFF  }
0xc0: {  	[dreg:$0x0] =	wrdreg $0xFFFFFFFF;
	(pc) =	sbr.abs _section_cstart, $3  }
0xc1: {  	[dreg:$0x1] =	wrdreg $0xFFFFFFFF  }
0xc2: {  	_ =	task.clear_ibuf [dreg:s7], $0x2FFFF;
	_ =	strace $0x9FFFFFFF  }
0xc3: {  	(tm) =	ssettm $0x7FFFFFFF  }
tec
execute0_lowered:
.L_overlay_start_1:
0x0: {  	(tag) =	ssettag $0x1  }
0x1: {  	s5 =	rddreg [dreg:$0x0]  }
0x2: {  	s0 =	srdreg.scid;
	s8 =	rddreg [dreg:$0x1]  }
0x3: {  	s2 =	rddreg [dreg:$0x2];
	s3 =	simm.s32 $0x0;
	s15 =	simm.s32 $0x80  }
0x4: {  	s16 =	simm.s32 $0x0;
	s7 =	sand.u32 $0x1, s0;
	s0 =	stileid.u32  }
0x5: {  	[smem:$0x7FF] =	sst s3;
	s1 =	sshll.u32 s7, $0x4;
	s9 =	ssub.s32 $0x2, s7  }
0x6: {  	s31 =	sshll.u32 s0, $0x7;
	s11 =	sshll.u32 s0, $0xA;
	s12 =	sshll.u32 s7, $0xB  }
0x7: {  	s13 =	sshll.u32 s0, $0x6;
	s4 =	sor.u32 s0, s1;
	s1 =	rddreg [dreg:$0x3]  }
0x8: {  	_ =	strace $0x80000047;
	s10 =	sshrl.u32 s9, $0x1;
	s8 =	sadd.s32 s8, s31  }
0x9: {  	s14 =	sadd.s32 s11, s2;
	s11 =	simm.s32 $0x6800;
	s13 =	sor.u32 $0x1C01, s13  }
0xa: {  	s4 =	smul.u32 $0x500, s4;
	s9 =	ssub.s32 s9, s10;
	s8 =	sadd.s32 s12, s8  }
0xb: {  	s10 =	simm.s32 $0x1;
	s12 =	simm.s32 $0x2800;
	s14 =	sshrl.u32 s14, $0x3  }
0xc: {  	s9 =	smax.u32 s9, $0x1;
	s6 =	sadd.s32 s4, s5;
	s4 =	sadd.s32 $0x17000, s5  }
0xd: {  	s5 =	sadd.s32 $0x16E00, s5;
	s6 =	sadd.s32 $0x2E00, s6;
	s7 =	sadd.s32 s4, s31  }
.LBB2_1:
0xe: {  	[tilespmem:s3], [sflag:$0x1] =	stream.linear.gather [hbm4b:s6+s3], $0x2800, $0x38;
	[tilespmem:$0x6C80] =	vst v63  }
0xf: {  	_ =	swait.ge [sflag:s10], $0x2800  }
0x10: {  	[sflag:s10] =	ssyncset.done $0x0  }
0x11: {  	[sflag:s10] =	ssyncadd.s32 $0xFFFFD800  }
0x12: {  	[tilespmem:s11], [sflag:$0x1] =	stream.linear.gather [hbm4b:s5+s3], $0x80, $0x38;
	[tilespmem:$0x6C80] =	vst v63  }
0x13: {  	_ =	swait.ge [sflag:s10], $0x80  }
0x14: {  	[sflag:s10] =	ssyncset.done $0x0  }
0x15: {  	[sflag:s10] =	ssyncadd.s32 $0xFFFFFF80  }
0x16: {  	[tilespmem:s12], [sflag:$0x1] =	stream.linear.gather [hbm4b:s4+s3], $0x4000, $0x38;
	[tilespmem:$0x6C80] =	vst v63  }
0x17: {  	_ =	swait.ge [sflag:s10], $0x4000  }
0x18: {  	[sflag:s10] =	ssyncset.done $0x0  }
0x19: {  	[sflag:s10] =	ssyncadd.s32 $0xFFFFC000  }
0x1a: {  	[spmem:s14], [sflag:s13] =	dma.local [hbm:s7], $0x80  }
0x1b: {  	_ =	swait.ge [sflag:s10], $0x80  }
0x1c: {  	[sflag:s10] =	ssyncset.done $0x0  }
0x1d: {  	s17 =	simm.s32 $0x0;
	[sflag:s10] =	ssyncadd.s32 $0xFFFFFF80  }
.LBB2_2:
0x1e: {  	s18 =	sshra.s32 s17, $0x2  }
0x1f: {  	v0 =	vld [tilespmem:s18+$0x0];
	_ =	sdelay $0x4  }
0x20: {  	(xrf1) =	vunique.msk.u32 $0xffff, v0;
	_ =	sdelay $0x8  }
0x21: {  	v1 =	vmul.u32 $0x10625, v0;
	_ =	sdelay $0x1  }
0x22: {  	v1 =	vshra.s32 v1, $0x1A  }
0x23: {  	v2 =	vmul.u32 $0xFFFFFC18, v1;
	_ =	sdelay $0x1  }
0x24: {  	v1 =	vshll.u32 v1, $0xA;
	v0 =	vadd.s32 v0, v2;
	_, v34, vm0 =	vpop (xrf1)  }
0x25: {  	v0 =	vadd.s32 v1, v0;
	_ =	sdelay $0x2  }
0x26: {  	v35 =	vcvt.s32.f32 v34;
	_ =	sdelay $0x1  }
0x27: {  	[tilespmem:v0+s12+$0x0] =	vst.idx.add.f32.msk vm0, v35  }
0x28: {  	v0 =	vld [tilespmem:s18+$0x10];
	_ =	sdelay $0x4  }
0x29: {  	(xrf1) =	vunique.msk.u32 $0xffff, v0;
	_ =	sdelay $0x8  }
0x2a: {  	v36 =	vmul.u32 $0x10625, v0;
	_ =	sdelay $0x1  }
0x2b: {  	v1 =	vshra.s32 v36, $0x1A  }
0x2c: {  	v37 =	vmul.u32 $0xFFFFFC18, v1;
	_ =	sdelay $0x1  }
0x2d: {  	v1 =	vshll.u32 v1, $0xA;
	v0 =	vadd.s32 v0, v37;
	_, v38, vm9 =	vpop (xrf1)  }
0x2e: {  	v0 =	vadd.s32 v1, v0;
	_ =	sdelay $0x2  }
0x2f: {  	v39 =	vcvt.s32.f32 v38;
	_ =	sdelay $0x1  }
0x30: {  	[tilespmem:v0+s12+$0x0] =	vst.idx.add.f32.msk vm9, v39  }
0x31: {  	v0 =	vld [tilespmem:s18+$0x20];
	_ =	sdelay $0x4  }
0x32: {  	(xrf1) =	vunique.msk.u32 $0xffff, v0;
	_ =	sdelay $0x8  }
0x33: {  	v40 =	vmul.u32 $0x10625, v0;
	_ =	sdelay $0x1  }
0x34: {  	v1 =	vshra.s32 v40, $0x1A  }
0x35: {  	v41 =	vmul.u32 $0xFFFFFC18, v1;
	_ =	sdelay $0x1  }
0x36: {  	v1 =	vshll.u32 v1, $0xA;
	v0 =	vadd.s32 v0, v41;
	_, v42, vm10 =	vpop (xrf1)  }
0x37: {  	v0 =	vadd.s32 v1, v0;
	_ =	sdelay $0x2  }
0x38: {  	v43 =	vcvt.s32.f32 v42;
	_ =	sdelay $0x1  }
0x39: {  	[tilespmem:v0+s12+$0x0] =	vst.idx.add.f32.msk vm10, v43  }
0x3a: {  	v0 =	vld [tilespmem:s18+$0x30];
	_ =	sdelay $0x4  }
0x3b: {  	(xrf1) =	vunique.msk.u32 $0xffff, v0;
	_ =	sdelay $0x8  }
0x3c: {  	v44 =	vmul.u32 $0x10625, v0;
	_ =	sdelay $0x1  }
0x3d: {  	v1 =	vshra.s32 v44, $0x1A  }
0x3e: {  	v45 =	vmul.u32 $0xFFFFFC18, v1;
	_ =	sdelay $0x1  }
0x3f: {  	v1 =	vshll.u32 v1, $0xA;
	v0 =	vadd.s32 v0, v45;
	_, v46, vm11 =	vpop (xrf1)  }
0x40: {  	v0 =	vadd.s32 v1, v0;
	_ =	sdelay $0x2  }
0x41: {  	v47 =	vcvt.s32.f32 v46;
	_ =	sdelay $0x1  }
0x42: {  	[tilespmem:v0+s12+$0x0] =	vst.idx.add.f32.msk vm11, v47  }
0x43: {  	v0 =	vld [tilespmem:s18+$0x40];
	_ =	sdelay $0x4  }
0x44: {  	(xrf1) =	vunique.msk.u32 $0xffff, v0;
	_ =	sdelay $0x8  }
0x45: {  	v48 =	vmul.u32 $0x10625, v0;
	_ =	sdelay $0x1  }
0x46: {  	v1 =	vshra.s32 v48, $0x1A  }
0x47: {  	v49 =	vmul.u32 $0xFFFFFC18, v1;
	_ =	sdelay $0x1  }
0x48: {  	v1 =	vshll.u32 v1, $0xA;
	v0 =	vadd.s32 v0, v49;
	_, v50, vm12 =	vpop (xrf1)  }
0x49: {  	v0 =	vadd.s32 v1, v0;
	_ =	sdelay $0x2  }
0x4a: {  	v51 =	vcvt.s32.f32 v50;
	_ =	sdelay $0x1  }
0x4b: {  	[tilespmem:v0+s12+$0x0] =	vst.idx.add.f32.msk vm12, v51  }
0x4c: {  	v0 =	vld [tilespmem:s18+$0x50];
	_ =	sdelay $0x4  }
0x4d: {  	(xrf1) =	vunique.msk.u32 $0xffff, v0;
	_ =	sdelay $0x8  }
0x4e: {  	v52 =	vmul.u32 $0x10625, v0;
	_ =	sdelay $0x1  }
0x4f: {  	v1 =	vshra.s32 v52, $0x1A  }
0x50: {  	v53 =	vmul.u32 $0xFFFFFC18, v1;
	_ =	sdelay $0x1  }
0x51: {  	v1 =	vshll.u32 v1, $0xA;
	v0 =	vadd.s32 v0, v53;
	_, v54, vm13 =	vpop (xrf1)  }
0x52: {  	v0 =	vadd.s32 v1, v0;
	_ =	sdelay $0x2  }
0x53: {  	v55 =	vcvt.s32.f32 v54;
	_ =	sdelay $0x1  }
0x54: {  	[tilespmem:v0+s12+$0x0] =	vst.idx.add.f32.msk vm13, v55  }
0x55: {  	v0 =	vld [tilespmem:s18+$0x60];
	_ =	sdelay $0x4  }
0x56: {  	(xrf1) =	vunique.msk.u32 $0xffff, v0;
	_ =	sdelay $0x8  }
0x57: {  	v56 =	vmul.u32 $0x10625, v0;
	_ =	sdelay $0x1  }
0x58: {  	v1 =	vshra.s32 v56, $0x1A  }
0x59: {  	v57 =	vmul.u32 $0xFFFFFC18, v1;
	_ =	sdelay $0x1  }
0x5a: {  	v1 =	vshll.u32 v1, $0xA;
	v0 =	vadd.s32 v0, v57;
	_, v58, vm14 =	vpop (xrf1)  }
0x5b: {  	v0 =	vadd.s32 v1, v0;
	_ =	sdelay $0x2  }
0x5c: {  	v59 =	vcvt.s32.f32 v58;
	_ =	sdelay $0x1  }
0x5d: {  	[tilespmem:v0+s12+$0x0] =	vst.idx.add.f32.msk vm14, v59  }
0x5e: {  	v0 =	vld [tilespmem:s18+$0x70];
	_ =	sdelay $0x4  }
0x5f: {  	(xrf1) =	vunique.msk.u32 $0xffff, v0;
	_ =	sdelay $0x8  }
0x60: {  	v60 =	vmul.u32 $0x10625, v0;
	_ =	sdelay $0x1  }
0x61: {  	v1 =	vshra.s32 v60, $0x1A  }
0x62: {  	v61 =	vmul.u32 $0xFFFFFC18, v1;
	_ =	sdelay $0x1  }
0x63: {  	v1 =	vshll.u32 v1, $0xA;
	v0 =	vadd.s32 v0, v61;
	_, v62, vm15 =	vpop (xrf1)  }
0x64: {  	p0 =	sne.s32 s17, $0x9E00;
	v0 =	vadd.s32 v1, v0  }
.Ltmp0:
0x65: {  	_ = 	snop;
	(pc) =	sbr.rel @p0 .LBB2_2-.Ltmp0, $3  }
0x66: {  	_ = 	snop  }
0x67: {  	v63 =	vcvt.s32.f32 v62;
	_ =	sdelay $0x1  }
0x68: {  	s17 =	sadd.s32 $0x200, s17;
	[tilespmem:v0+s12+$0x0] =	vst.idx.add.f32.msk vm15, v63  }
0x69: {  	[bflag:$0x0] =	sbarrier.arrive $0xFFFF  }
0x6a: {  	[spmem:s2] =	stream.indirect.scatter.add.f32 [tilespmem:s12], [sflag:$0x1], $0x80, s11, s15, $0xb8;
	[tilespmem:$0x6C80] =	vst v63  }
0x6b: {  	_ =	swait.ge [sflag:s10], $0x4000  }
0x6c: {  	s16 =	sadd.s32 $0x1, s16;
	[sflag:s10] =	ssyncset.done $0x0  }
0x6d: {  	p0 =	sne.s32 s16, s9;
	[sflag:s10] =	ssyncadd.s32 $0xFFFFC000  }
.Ltmp1:
0x6e: {  	[bflag:$0x0] =	sbarrier.arrive $0xFFFF;
	(pc) =	sbr.rel @p0 .LBB2_1-.Ltmp1, $4  }
0x6f: {  	[hbm:s8], [sflag:s13] =	dma.local [spmem:s14], $0x80  }
0x70: {  	_ =	swait.ge [sflag:s10], $0x80  }
0x71: {  	[sflag:s10] =	ssyncset.done $0x0  }
0x72: {  	[sflag:s10] =	ssyncadd.s32 $0xFFFFFF80  }
0x73: {  	_ =	sfence.sel $0x180000  }
0x74: {  	[bflag:$0x0] =	sbarrier.arrive $0xFFFF  }
0x75: {  	p0 =	sne.s32 s0, $0x0;
	_ =	strace $0x90000047  }
0x76: {  	s0 =	sadd.s32 @!p0 $0x100000, s1;
	[bflag:$0x2] =	sbarrier.arrive $0xFFFF  }
0x77: {  	[sflag:s0] =	ssyncadd.tile.s32 @!p0 $0x1;
	_ =	shalt  }
.Lfunc_end2:
_tile_overlayer_lowered:
.L_overlay_start_2:
0x78: {  	(tag) =	ssettag $0x2  }
0x79: {  	s0 =	rddreg [dreg:$0x0];
	s2 =	stileid.u32  }
0x7a: {  	s1 =	rddreg [dreg:$0x1];
	p0 =	sne.s32 s2, $0x0  }
0x7b: {  	s3 =	rddreg [dreg:$0x2];
	[bflag:$0x3] =	sbarrier.arrive $0xFFFF;
	s2 =	simm.s32 @!p0 $0x1C01  }
0x7c: {  	[timem:s3], [sflag:s2] =	dma.local @!p0 [hbm:s0], s1  }
0x7d: {  	s0 =	simm.s32 @!p0 $0x1  }
0x7e: {  	_ =	swait.ge @!p0 [sflag:s0], s1  }
0x7f: {  	s1 =	ssub.s32 @!p0 $0x0, s1;
	[sflag:s0] =	ssyncset.done @!p0 $0x0  }
0x80: {  	[sflag:s0] =	ssyncadd.s32 @!p0 s1  }
0x81: {  	[bflag:$0x3] =	sbarrier.arrive $0xFFFF  }
0x82: {  	_ =	shalt  }

</sc_bundles>
